<compile_context>
chip_gen: v7x
topology: tpu7x:2x2x1
jax: 0.10.2.dev20260603
libtpu: 0.0.44.dev20260713+nightly
codegen_flags: <defaults>
</compile_context>

<pallas_src>
import jax
import jax.numpy as jnp
from jax import lax
from jax.experimental import pallas as pl
from jax.experimental.pallas import tpu as pltpu
from jax.experimental.pallas import tpu_sc as plsc

NC = 2
NS = 16
L = 16
NW = NC * NS
B = 16384
F = 32
BPW = B // NW
NCHUNK = 4
CHUNK = BPW // NCHUNK
NGRP = BPW // L


def _rot_idx(lane, k):
  return (lane + k) & (L - 1)


_GATHER_DNUMS = lax.GatherDimensionNumbers(
    offset_dims=(), collapsed_slice_dims=(0,), start_index_map=(0,))


def _take(x, idx):
  return lax.gather(x, idx[:, None], _GATHER_DNUMS, slice_sizes=(1,),
                    mode=lax.GatherScatterMode.PROMISE_IN_BOUNDS)


def _sc_body(user_hbm, item_hbm, uf_hbm, if_hbm, out_hbm,
             uidx_v, iidx_v, urows_v, irows_v, out_v, sem):
  wid = lax.axis_index("s") * NC + lax.axis_index("c")
  base = wid * BPW

  for j in range(NCHUNK):
    pltpu.sync_copy(user_hbm.at[pl.ds(base + j * CHUNK, CHUNK)], uidx_v.at[j])
    pltpu.sync_copy(item_hbm.at[pl.ds(base + j * CHUNK, CHUNK)], iidx_v.at[j])

  copies = []
  for j in range(NCHUNK):
    copies.append(pltpu.async_copy(
        uf_hbm.at[uidx_v.at[j]], urows_v.at[pl.ds(j * CHUNK, CHUNK)], sem))
    copies.append(pltpu.async_copy(
        if_hbm.at[iidx_v.at[j]], irows_v.at[pl.ds(j * CHUNK, CHUNK)], sem))
  for c in copies:
    c.wait()

  lane = lax.iota(jnp.int32, L)
  rot = {k: _rot_idx(lane, k) for k in (1, 2, 4, 8)}
  rotr = {k: _rot_idx(lane, L - k) for k in (1, 2, 4)}
  keep = {k: (lane & k) == 0 for k in (1, 2, 4, 8)}
  perm = (((lane & 1) << 3) | ((lane & 2) << 1) |
          ((lane & 4) >> 1) | ((lane & 8) >> 3))

  def group(g, _):
    r0 = g * L
    t = []
    for i in range(L):
      r = r0 + i
      u0 = urows_v[r, pl.ds(0, L)]
      u1 = urows_v[r, pl.ds(L, L)]
      v0 = irows_v[r, pl.ds(0, L)]
      v1 = irows_v[r, pl.ds(L, L)]
      t.append(u0 * v0 + u1 * v1)
    for k in (8, 4, 2, 1):
      nxt = []
      for i in range(len(t) // 2):
        a, b = t[2 * i], t[2 * i + 1]
        ra = a + _take(a, rot[k])
        rb = b + _take(b, rot[k])
        if k == 8:
          nxt.append(jnp.where(keep[k], ra, rb))
        else:
          nxt.append(jnp.where(keep[k], ra, _take(rb, rotr[k])))
      t = nxt
    out_v[pl.ds(r0, L)] = _take(t[0], perm)
    return ()

  lax.fori_loop(0, NGRP, group, (), unroll=False)

  pltpu.sync_copy(out_v, out_hbm.at[pl.ds(base, BPW)])


@jax.jit
def kernel(user, item, user_factors, item_factors):
  mesh = plsc.VectorSubcoreMesh(core_axis_name="c", subcore_axis_name="s")
  run = pl.kernel(
      _sc_body,
      out_type=jax.ShapeDtypeStruct((B,), jnp.float32),
      mesh=mesh,
      scratch_types=[
          pltpu.VMEM((NCHUNK, CHUNK), jnp.int32),
          pltpu.VMEM((NCHUNK, CHUNK), jnp.int32),
          pltpu.VMEM((BPW, F), jnp.float32),
          pltpu.VMEM((BPW, F), jnp.float32),
          pltpu.VMEM((BPW,), jnp.float32),
          pltpu.SemaphoreType.DMA,
      ],
      compiler_params=pltpu.CompilerParams(use_tc_tiling_on_sc=False),
  )
  return run(user, item, user_factors, item_factors)

# --- scband reference (transcript-rebuilt; emitter-appended) ---
"""Pipeline reference for scband-matrix-factorization-46875273069106 (READ-ONLY COPY).

The authoritative reference and input builder live on the scoring server;
editing this copy changes nothing except your own understanding.
"""

import jax, jax.numpy as jnp
import numpy as np

N_USERS = 1000000
N_ITEMS = 1000000
N_FACTORS = 32
BATCH = 16384

def setup_inputs(seed: int = 0) -> dict:
    key = jax.random.key(seed)
    k_user, k_item, k_uf, k_if = jax.random.split(key, 4)
    user = jax.random.randint(k_user, (BATCH,), 0, N_USERS, dtype=jnp.int64 if jax.config.jax_enable_x64 else jnp.int32).astype(jnp.int32)
    item = jax.random.randint(k_item, (BATCH,), 0, N_ITEMS, dtype=jnp.int64 if jax.config.jax_enable_x64 else jnp.int32).astype(jnp.int32)
    # Embedding tables (learned params), init like torch.nn.Embedding default N(0,1)
    user_factors = jax.random.normal(k_uf, (N_USERS, N_FACTORS), dtype=jnp.float32)
    item_factors = jax.random.normal(k_if, (N_ITEMS, N_FACTORS), dtype=jnp.float32)
    return {"user": user, "item": item, "user_factors": user_factors, "item_factors": item_factors}

def reference(user, item, user_factors, item_factors):
    # gather rows from each table (embedding lookup) then dot per row
    u = jnp.take(user_factors, user, axis=0)  # [B, F]
    v = jnp.take(item_factors, item, axis=0)  # [B, F]
    return (u * v).sum(axis=1)  # [B]

if __name__ == "__main__":
    import jax
    _d = setup_inputs()
    print(jax.jit(kernel)(*tuple(_d.values())))

</pallas_src>

<mosaic_0001>
#map = affine_map<(d0, d1) -> (0)>
#map1 = affine_map<(d0, d1) -> (0, 0)>
module attributes {stable_mosaic.version = 14 : i64} {
  func.func @_sc_body(%arg0: i32, %arg1: i32, %arg2: memref<16384xi32, #tpu.memory_space<hbm>>, %arg3: memref<16384xi32, #tpu.memory_space<hbm>>, %arg4: memref<1000000x32xf32, #tpu.memory_space<hbm>>, %arg5: memref<1000000x32xf32, #tpu.memory_space<hbm>>, %arg6: memref<16384xf32, #tpu.memory_space<hbm>>, %arg7: memref<4x128xi32, #tpu.memory_space<vmem>>, %arg8: memref<4x128xi32, #tpu.memory_space<vmem>>, %arg9: memref<512x32xf32, #tpu.memory_space<vmem>>, %arg10: memref<512x32xf32, #tpu.memory_space<vmem>>, %arg11: memref<512xf32, #tpu.memory_space<vmem>>, %arg12: memref<!tpu.dma_semaphore, #tpu.memory_space<semaphore_mem>>) attributes {dimension_semantics = [#tpu.dimension_semantics<core_parallel>, #tpu.dimension_semantics<subcore_parallel>], iteration_bounds = array<i64: 2, 16>, scalar_prefetch = 0 : i64, scratch_operands = 6 : i64, tpu.core_type = #tpu.core_type<sc_vector_subcore>, window_params = [{transform_indices = #map}, {transform_indices = #map}, {transform_indices = #map1}, {transform_indices = #map1}, {transform_indices = #map}]} {
    %mul3A = arith.constant 2 : i32
    %mul3A_0 = arith.muli %arg1, %mul3A : i32
    %add3A = arith.addi %mul3A_0, %arg0 : i32
    %mul3A_1 = arith.constant 512 : i32
    %mul3A_2 = arith.muli %add3A, %mul3A_1 : i32
    %add3A_3 = arith.constant 0 : i32
    %add3A_4 = arith.addi %mul3A_2, %add3A_3 : i32
    %run_scoped3A = arith.constant 0 : i32
    "tpu.region"() ({
      %run_scoped3A_276 = tpu.sem_alloc : memref<!tpu.dma_semaphore, #tpu.memory_space<semaphore_mem>>
      %dma_start3A_277 = arith.constant 0 : i32
      %dma_start3A_278 = tpu.memref_slice %arg7[%run_scoped3A, %dma_start3A_277] : memref<4x128xi32, #tpu.memory_space<vmem>> -> memref<1x128xi32, #tpu.memory_space<vmem>>
      %dma_start3A_279 = tpu.memref_squeeze %dma_start3A_278 : memref<1x128xi32, #tpu.memory_space<vmem>> -> memref<128xi32, #tpu.memory_space<vmem>>
      %dma_start3A_280 = tpu.memref_slice %arg2[%add3A_4] : memref<16384xi32, #tpu.memory_space<hbm>> -> memref<128xi32, #tpu.memory_space<hbm>>
      %dma_start3A_281 = arith.constant 0 : i32
      %dma_start3A_282 = tpu.memref_slice %arg7[%run_scoped3A, %dma_start3A_281] : memref<4x128xi32, #tpu.memory_space<vmem>> -> memref<1x128xi32, #tpu.memory_space<vmem>>
      %dma_start3A_283 = tpu.memref_squeeze %dma_start3A_282 : memref<1x128xi32, #tpu.memory_space<vmem>> -> memref<128xi32, #tpu.memory_space<vmem>>
      %dma_start3A_284 = tpu.memref_slice %arg2[%add3A_4] : memref<16384xi32, #tpu.memory_space<hbm>> -> memref<128xi32, #tpu.memory_space<hbm>>
      tpu.enqueue_dma source(%dma_start3A_284 : memref<128xi32, #tpu.memory_space<hbm>>) target(%dma_start3A_283 : memref<128xi32, #tpu.memory_space<vmem>>) target_semaphore(%run_scoped3A_276 : memref<!tpu.dma_semaphore, #tpu.memory_space<semaphore_mem>>)
      %dma_wait3A_285 = arith.constant 0 : i32
      %dma_wait3A_286 = tpu.memref_slice %arg7[%run_scoped3A, %dma_wait3A_285] : memref<4x128xi32, #tpu.memory_space<vmem>> -> memref<1x128xi32, #tpu.memory_space<vmem>>
      %dma_wait3A_287 = tpu.memref_squeeze %dma_wait3A_286 : memref<1x128xi32, #tpu.memory_space<vmem>> -> memref<128xi32, #tpu.memory_space<vmem>>
      %dma_wait3A_288 = tpu.memref_slice %arg2[%add3A_4] : memref<16384xi32, #tpu.memory_space<hbm>> -> memref<128xi32, #tpu.memory_space<hbm>>
      %dma_wait3A_289 = arith.constant 0 : i32
      %dma_wait3A_290 = tpu.memref_slice %arg7[%run_scoped3A, %dma_wait3A_289] : memref<4x128xi32, #tpu.memory_space<vmem>> -> memref<1x128xi32, #tpu.memory_space<vmem>>
      %dma_wait3A_291 = tpu.memref_squeeze %dma_wait3A_290 : memref<1x128xi32, #tpu.memory_space<vmem>> -> memref<128xi32, #tpu.memory_space<vmem>>
      %dma_wait3A_292 = tpu.memref_slice %arg2[%add3A_4] : memref<16384xi32, #tpu.memory_space<hbm>> -> memref<128xi32, #tpu.memory_space<hbm>>
      tpu.wait_dma2 semaphore(%run_scoped3A_276 : memref<!tpu.dma_semaphore, #tpu.memory_space<semaphore_mem>>) src(%dma_wait3A_292 : memref<128xi32, #tpu.memory_space<hbm>>) dst(%dma_wait3A_291 : memref<128xi32, #tpu.memory_space<vmem>>)
      tpu.yield
    }) : () -> ()
    %add3A_5 = arith.constant 0 : i32
    %add3A_6 = arith.addi %mul3A_2, %add3A_5 : i32
    %run_scoped3A_7 = arith.constant 0 : i32
    "tpu.region"() ({
      %run_scoped3A_276 = tpu.sem_alloc : memref<!tpu.dma_semaphore, #tpu.memory_space<semaphore_mem>>
      %dma_start3A_277 = arith.constant 0 : i32
      %dma_start3A_278 = tpu.memref_slice %arg8[%run_scoped3A_7, %dma_start3A_277] : memref<4x128xi32, #tpu.memory_space<vmem>> -> memref<1x128xi32, #tpu.memory_space<vmem>>
      %dma_start3A_279 = tpu.memref_squeeze %dma_start3A_278 : memref<1x128xi32, #tpu.memory_space<vmem>> -> memref<128xi32, #tpu.memory_space<vmem>>
      %dma_start3A_280 = tpu.memref_slice %arg3[%add3A_6] : memref<16384xi32, #tpu.memory_space<hbm>> -> memref<128xi32, #tpu.memory_space<hbm>>
      %dma_start3A_281 = arith.constant 0 : i32
      %dma_start3A_282 = tpu.memref_slice %arg8[%run_scoped3A_7, %dma_start3A_281] : memref<4x128xi32, #tpu.memory_space<vmem>> -> memref<1x128xi32, #tpu.memory_space<vmem>>
      %dma_start3A_283 = tpu.memref_squeeze %dma_start3A_282 : memref<1x128xi32, #tpu.memory_space<vmem>> -> memref<128xi32, #tpu.memory_space<vmem>>
      %dma_start3A_284 = tpu.memref_slice %arg3[%add3A_6] : memref<16384xi32, #tpu.memory_space<hbm>> -> memref<128xi32, #tpu.memory_space<hbm>>
      tpu.enqueue_dma source(%dma_start3A_284 : memref<128xi32, #tpu.memory_space<hbm>>) target(%dma_start3A_283 : memref<128xi32, #tpu.memory_space<vmem>>) target_semaphore(%run_scoped3A_276 : memref<!tpu.dma_semaphore, #tpu.memory_space<semaphore_mem>>)
      %dma_wait3A_285 = arith.constant 0 : i32
      %dma_wait3A_286 = tpu.memref_slice %arg8[%run_scoped3A_7, %dma_wait3A_285] : memref<4x128xi32, #tpu.memory_space<vmem>> -> memref<1x128xi32, #tpu.memory_space<vmem>>
      %dma_wait3A_287 = tpu.memref_squeeze %dma_wait3A_286 : memref<1x128xi32, #tpu.memory_space<vmem>> -> memref<128xi32, #tpu.memory_space<vmem>>
      %dma_wait3A_288 = tpu.memref_slice %arg3[%add3A_6] : memref<16384xi32, #tpu.memory_space<hbm>> -> memref<128xi32, #tpu.memory_space<hbm>>
      %dma_wait3A_289 = arith.constant 0 : i32
      %dma_wait3A_290 = tpu.memref_slice %arg8[%run_scoped3A_7, %dma_wait3A_289] : memref<4x128xi32, #tpu.memory_space<vmem>> -> memref<1x128xi32, #tpu.memory_space<vmem>>
      %dma_wait3A_291 = tpu.memref_squeeze %dma_wait3A_290 : memref<1x128xi32, #tpu.memory_space<vmem>> -> memref<128xi32, #tpu.memory_space<vmem>>
      %dma_wait3A_292 = tpu.memref_slice %arg3[%add3A_6] : memref<16384xi32, #tpu.memory_space<hbm>> -> memref<128xi32, #tpu.memory_space<hbm>>
      tpu.wait_dma2 semaphore(%run_scoped3A_276 : memref<!tpu.dma_semaphore, #tpu.memory_space<semaphore_mem>>) src(%dma_wait3A_292 : memref<128xi32, #tpu.memory_space<hbm>>) dst(%dma_wait3A_291 : memref<128xi32, #tpu.memory_space<vmem>>)
      tpu.yield
    }) : () -> ()
    %add3A_8 = arith.constant 128 : i32
    %add3A_9 = arith.addi %mul3A_2, %add3A_8 : i32
    %run_scoped3A_10 = arith.constant 1 : i32
    "tpu.region"() ({
      %run_scoped3A_276 = tpu.sem_alloc : memref<!tpu.dma_semaphore, #tpu.memory_space<semaphore_mem>>
      %dma_start3A_277 = arith.constant 0 : i32
      %dma_start3A_278 = tpu.memref_slice %arg7[%run_scoped3A_10, %dma_start3A_277] : memref<4x128xi32, #tpu.memory_space<vmem>> -> memref<1x128xi32, #tpu.memory_space<vmem>>
      %dma_start3A_279 = tpu.memref_squeeze %dma_start3A_278 : memref<1x128xi32, #tpu.memory_space<vmem>> -> memref<128xi32, #tpu.memory_space<vmem>>
      %dma_start3A_280 = tpu.memref_slice %arg2[%add3A_9] : memref<16384xi32, #tpu.memory_space<hbm>> -> memref<128xi32, #tpu.memory_space<hbm>>
      %dma_start3A_281 = arith.constant 0 : i32
      %dma_start3A_282 = tpu.memref_slice %arg7[%run_scoped3A_10, %dma_start3A_281] : memref<4x128xi32, #tpu.memory_space<vmem>> -> memref<1x128xi32, #tpu.memory_space<vmem>>
      %dma_start3A_283 = tpu.memref_squeeze %dma_start3A_282 : memref<1x128xi32, #tpu.memory_space<vmem>> -> memref<128xi32, #tpu.memory_space<vmem>>
      %dma_start3A_284 = tpu.memref_slice %arg2[%add3A_9] : memref<16384xi32, #tpu.memory_space<hbm>> -> memref<128xi32, #tpu.memory_space<hbm>>
      tpu.enqueue_dma source(%dma_start3A_284 : memref<128xi32, #tpu.memory_space<hbm>>) target(%dma_start3A_283 : memref<128xi32, #tpu.memory_space<vmem>>) target_semaphore(%run_scoped3A_276 : memref<!tpu.dma_semaphore, #tpu.memory_space<semaphore_mem>>)
      %dma_wait3A_285 = arith.constant 0 : i32
      %dma_wait3A_286 = tpu.memref_slice %arg7[%run_scoped3A_10, %dma_wait3A_285] : memref<4x128xi32, #tpu.memory_space<vmem>> -> memref<1x128xi32, #tpu.memory_space<vmem>>
      %dma_wait3A_287 = tpu.memref_squeeze %dma_wait3A_286 : memref<1x128xi32, #tpu.memory_space<vmem>> -> memref<128xi32, #tpu.memory_space<vmem>>
      %dma_wait3A_288 = tpu.memref_slice %arg2[%add3A_9] : memref<16384xi32, #tpu.memory_space<hbm>> -> memref<128xi32, #tpu.memory_space<hbm>>
      %dma_wait3A_289 = arith.constant 0 : i32
      %dma_wait3A_290 = tpu.memref_slice %arg7[%run_scoped3A_10, %dma_wait3A_289] : memref<4x128xi32, #tpu.memory_space<vmem>> -> memref<1x128xi32, #tpu.memory_space<vmem>>
      %dma_wait3A_291 = tpu.memref_squeeze %dma_wait3A_290 : memref<1x128xi32, #tpu.memory_space<vmem>> -> memref<128xi32, #tpu.memory_space<vmem>>
      %dma_wait3A_292 = tpu.memref_slice %arg2[%add3A_9] : memref<16384xi32, #tpu.memory_space<hbm>> -> memref<128xi32, #tpu.memory_space<hbm>>
      tpu.wait_dma2 semaphore(%run_scoped3A_276 : memref<!tpu.dma_semaphore, #tpu.memory_space<semaphore_mem>>) src(%dma_wait3A_292 : memref<128xi32, #tpu.memory_space<hbm>>) dst(%dma_wait3A_291 : memref<128xi32, #tpu.memory_space<vmem>>)
      tpu.yield
    }) : () -> ()
    %add3A_11 = arith.constant 128 : i32
    %add3A_12 = arith.addi %mul3A_2, %add3A_11 : i32
    %run_scoped3A_13 = arith.constant 1 : i32
    "tpu.region"() ({
      %run_scoped3A_276 = tpu.sem_alloc : memref<!tpu.dma_semaphore, #tpu.memory_space<semaphore_mem>>
      %dma_start3A_277 = arith.constant 0 : i32
      %dma_start3A_278 = tpu.memref_slice %arg8[%run_scoped3A_13, %dma_start3A_277] : memref<4x128xi32, #tpu.memory_space<vmem>> -> memref<1x128xi32, #tpu.memory_space<vmem>>
      %dma_start3A_279 = tpu.memref_squeeze %dma_start3A_278 : memref<1x128xi32, #tpu.memory_space<vmem>> -> memref<128xi32, #tpu.memory_space<vmem>>
      %dma_start3A_280 = tpu.memref_slice %arg3[%add3A_12] : memref<16384xi32, #tpu.memory_space<hbm>> -> memref<128xi32, #tpu.memory_space<hbm>>
      %dma_start3A_281 = arith.constant 0 : i32
      %dma_start3A_282 = tpu.memref_slice %arg8[%run_scoped3A_13, %dma_start3A_281] : memref<4x128xi32, #tpu.memory_space<vmem>> -> memref<1x128xi32, #tpu.memory_space<vmem>>
      %dma_start3A_283 = tpu.memref_squeeze %dma_start3A_282 : memref<1x128xi32, #tpu.memory_space<vmem>> -> memref<128xi32, #tpu.memory_space<vmem>>
      %dma_start3A_284 = tpu.memref_slice %arg3[%add3A_12] : memref<16384xi32, #tpu.memory_space<hbm>> -> memref<128xi32, #tpu.memory_space<hbm>>
      tpu.enqueue_dma source(%dma_start3A_284 : memref<128xi32, #tpu.memory_space<hbm>>) target(%dma_start3A_283 : memref<128xi32, #tpu.memory_space<vmem>>) target_semaphore(%run_scoped3A_276 : memref<!tpu.dma_semaphore, #tpu.memory_space<semaphore_mem>>)
      %dma_wait3A_285 = arith.constant 0 : i32
      %dma_wait3A_286 = tpu.memref_slice %arg8[%run_scoped3A_13, %dma_wait3A_285] : memref<4x128xi32, #tpu.memory_space<vmem>> -> memref<1x128xi32, #tpu.memory_space<vmem>>
      %dma_wait3A_287 = tpu.memref_squeeze %dma_wait3A_286 : memref<1x128xi32, #tpu.memory_space<vmem>> -> memref<128xi32, #tpu.memory_space<vmem>>
      %dma_wait3A_288 = tpu.memref_slice %arg3[%add3A_12] : memref<16384xi32, #tpu.memory_space<hbm>> -> memref<128xi32, #tpu.memory_space<hbm>>
      %dma_wait3A_289 = arith.constant 0 : i32
      %dma_wait3A_290 = tpu.memref_slice %arg8[%run_scoped3A_13, %dma_wait3A_289] : memref<4x128xi32, #tpu.memory_space<vmem>> -> memref<1x128xi32, #tpu.memory_space<vmem>>
      %dma_wait3A_291 = tpu.memref_squeeze %dma_wait3A_290 : memref<1x128xi32, #tpu.memory_space<vmem>> -> memref<128xi32, #tpu.memory_space<vmem>>
      %dma_wait3A_292 = tpu.memref_slice %arg3[%add3A_12] : memref<16384xi32, #tpu.memory_space<hbm>> -> memref<128xi32, #tpu.memory_space<hbm>>
      tpu.wait_dma2 semaphore(%run_scoped3A_276 : memref<!tpu.dma_semaphore, #tpu.memory_space<semaphore_mem>>) src(%dma_wait3A_292 : memref<128xi32, #tpu.memory_space<hbm>>) dst(%dma_wait3A_291 : memref<128xi32, #tpu.memory_space<vmem>>)
      tpu.yield
    }) : () -> ()
    %add3A_14 = arith.constant 256 : i32
    %add3A_15 = arith.addi %mul3A_2, %add3A_14 : i32
    %run_scoped3A_16 = arith.constant 2 : i32
    "tpu.region"() ({
      %run_scoped3A_276 = tpu.sem_alloc : memref<!tpu.dma_semaphore, #tpu.memory_space<semaphore_mem>>
      %dma_start3A_277 = arith.constant 0 : i32
      %dma_start3A_278 = tpu.memref_slice %arg7[%run_scoped3A_16, %dma_start3A_277] : memref<4x128xi32, #tpu.memory_space<vmem>> -> memref<1x128xi32, #tpu.memory_space<vmem>>
      %dma_start3A_279 = tpu.memref_squeeze %dma_start3A_278 : memref<1x128xi32, #tpu.memory_space<vmem>> -> memref<128xi32, #tpu.memory_space<vmem>>
      %dma_start3A_280 = tpu.memref_slice %arg2[%add3A_15] : memref<16384xi32, #tpu.memory_space<hbm>> -> memref<128xi32, #tpu.memory_space<hbm>>
      %dma_start3A_281 = arith.constant 0 : i32
      %dma_start3A_282 = tpu.memref_slice %arg7[%run_scoped3A_16, %dma_start3A_281] : memref<4x128xi32, #tpu.memory_space<vmem>> -> memref<1x128xi32, #tpu.memory_space<vmem>>
      %dma_start3A_283 = tpu.memref_squeeze %dma_start3A_282 : memref<1x128xi32, #tpu.memory_space<vmem>> -> memref<128xi32, #tpu.memory_space<vmem>>
      %dma_start3A_284 = tpu.memref_slice %arg2[%add3A_15] : memref<16384xi32, #tpu.memory_space<hbm>> -> memref<128xi32, #tpu.memory_space<hbm>>
      tpu.enqueue_dma source(%dma_start3A_284 : memref<128xi32, #tpu.memory_space<hbm>>) target(%dma_start3A_283 : memref<128xi32, #tpu.memory_space<vmem>>) target_semaphore(%run_scoped3A_276 : memref<!tpu.dma_semaphore, #tpu.memory_space<semaphore_mem>>)
      %dma_wait3A_285 = arith.constant 0 : i32
      %dma_wait3A_286 = tpu.memref_slice %arg7[%run_scoped3A_16, %dma_wait3A_285] : memref<4x128xi32, #tpu.memory_space<vmem>> -> memref<1x128xi32, #tpu.memory_space<vmem>>
      %dma_wait3A_287 = tpu.memref_squeeze %dma_wait3A_286 : memref<1x128xi32, #tpu.memory_space<vmem>> -> memref<128xi32, #tpu.memory_space<vmem>>
      %dma_wait3A_288 = tpu.memref_slice %arg2[%add3A_15] : memref<16384xi32, #tpu.memory_space<hbm>> -> memref<128xi32, #tpu.memory_space<hbm>>
      %dma_wait3A_289 = arith.constant 0 : i32
      %dma_wait3A_290 = tpu.memref_slice %arg7[%run_scoped3A_16, %dma_wait3A_289] : memref<4x128xi32, #tpu.memory_space<vmem>> -> memref<1x128xi32, #tpu.memory_space<vmem>>
      %dma_wait3A_291 = tpu.memref_squeeze %dma_wait3A_290 : memref<1x128xi32, #tpu.memory_space<vmem>> -> memref<128xi32, #tpu.memory_space<vmem>>
      %dma_wait3A_292 = tpu.memref_slice %arg2[%add3A_15] : memref<16384xi32, #tpu.memory_space<hbm>> -> memref<128xi32, #tpu.memory_space<hbm>>
      tpu.wait_dma2 semaphore(%run_scoped3A_276 : memref<!tpu.dma_semaphore, #tpu.memory_space<semaphore_mem>>) src(%dma_wait3A_292 : memref<128xi32, #tpu.memory_space<hbm>>) dst(%dma_wait3A_291 : memref<128xi32, #tpu.memory_space<vmem>>)
      tpu.yield
    }) : () -> ()
    %add3A_17 = arith.constant 256 : i32
    %add3A_18 = arith.addi %mul3A_2, %add3A_17 : i32
    %run_scoped3A_19 = arith.constant 2 : i32
    "tpu.region"() ({
      %run_scoped3A_276 = tpu.sem_alloc : memref<!tpu.dma_semaphore, #tpu.memory_space<semaphore_mem>>
      %dma_start3A_277 = arith.constant 0 : i32
      %dma_start3A_278 = tpu.memref_slice %arg8[%run_scoped3A_19, %dma_start3A_277] : memref<4x128xi32, #tpu.memory_space<vmem>> -> memref<1x128xi32, #tpu.memory_space<vmem>>
      %dma_start3A_279 = tpu.memref_squeeze %dma_start3A_278 : memref<1x128xi32, #tpu.memory_space<vmem>> -> memref<128xi32, #tpu.memory_space<vmem>>
      %dma_start3A_280 = tpu.memref_slice %arg3[%add3A_18] : memref<16384xi32, #tpu.memory_space<hbm>> -> memref<128xi32, #tpu.memory_space<hbm>>
      %dma_start3A_281 = arith.constant 0 : i32
      %dma_start3A_282 = tpu.memref_slice %arg8[%run_scoped3A_19, %dma_start3A_281] : memref<4x128xi32, #tpu.memory_space<vmem>> -> memref<1x128xi32, #tpu.memory_space<vmem>>
      %dma_start3A_283 = tpu.memref_squeeze %dma_start3A_282 : memref<1x128xi32, #tpu.memory_space<vmem>> -> memref<128xi32, #tpu.memory_space<vmem>>
      %dma_start3A_284 = tpu.memref_slice %arg3[%add3A_18] : memref<16384xi32, #tpu.memory_space<hbm>> -> memref<128xi32, #tpu.memory_space<hbm>>
      tpu.enqueue_dma source(%dma_start3A_284 : memref<128xi32, #tpu.memory_space<hbm>>) target(%dma_start3A_283 : memref<128xi32, #tpu.memory_space<vmem>>) target_semaphore(%run_scoped3A_276 : memref<!tpu.dma_semaphore, #tpu.memory_space<semaphore_mem>>)
      %dma_wait3A_285 = arith.constant 0 : i32
      %dma_wait3A_286 = tpu.memref_slice %arg8[%run_scoped3A_19, %dma_wait3A_285] : memref<4x128xi32, #tpu.memory_space<vmem>> -> memref<1x128xi32, #tpu.memory_space<vmem>>
      %dma_wait3A_287 = tpu.memref_squeeze %dma_wait3A_286 : memref<1x128xi32, #tpu.memory_space<vmem>> -> memref<128xi32, #tpu.memory_space<vmem>>
      %dma_wait3A_288 = tpu.memref_slice %arg3[%add3A_18] : memref<16384xi32, #tpu.memory_space<hbm>> -> memref<128xi32, #tpu.memory_space<hbm>>
      %dma_wait3A_289 = arith.constant 0 : i32
      %dma_wait3A_290 = tpu.memref_slice %arg8[%run_scoped3A_19, %dma_wait3A_289] : memref<4x128xi32, #tpu.memory_space<vmem>> -> memref<1x128xi32, #tpu.memory_space<vmem>>
      %dma_wait3A_291 = tpu.memref_squeeze %dma_wait3A_290 : memref<1x128xi32, #tpu.memory_space<vmem>> -> memref<128xi32, #tpu.memory_space<vmem>>
      %dma_wait3A_292 = tpu.memref_slice %arg3[%add3A_18] : memref<16384xi32, #tpu.memory_space<hbm>> -> memref<128xi32, #tpu.memory_space<hbm>>
      tpu.wait_dma2 semaphore(%run_scoped3A_276 : memref<!tpu.dma_semaphore, #tpu.memory_space<semaphore_mem>>) src(%dma_wait3A_292 : memref<128xi32, #tpu.memory_space<hbm>>) dst(%dma_wait3A_291 : memref<128xi32, #tpu.memory_space<vmem>>)
      tpu.yield
    }) : () -> ()
    %add3A_20 = arith.constant 384 : i32
    %add3A_21 = arith.addi %mul3A_2, %add3A_20 : i32
    %run_scoped3A_22 = arith.constant 3 : i32
    "tpu.region"() ({
      %run_scoped3A_276 = tpu.sem_alloc : memref<!tpu.dma_semaphore, #tpu.memory_space<semaphore_mem>>
      %dma_start3A_277 = arith.constant 0 : i32
      %dma_start3A_278 = tpu.memref_slice %arg7[%run_scoped3A_22, %dma_start3A_277] : memref<4x128xi32, #tpu.memory_space<vmem>> -> memref<1x128xi32, #tpu.memory_space<vmem>>
      %dma_start3A_279 = tpu.memref_squeeze %dma_start3A_278 : memref<1x128xi32, #tpu.memory_space<vmem>> -> memref<128xi32, #tpu.memory_space<vmem>>
      %dma_start3A_280 = tpu.memref_slice %arg2[%add3A_21] : memref<16384xi32, #tpu.memory_space<hbm>> -> memref<128xi32, #tpu.memory_space<hbm>>
      %dma_start3A_281 = arith.constant 0 : i32
      %dma_start3A_282 = tpu.memref_slice %arg7[%run_scoped3A_22, %dma_start3A_281] : memref<4x128xi32, #tpu.memory_space<vmem>> -> memref<1x128xi32, #tpu.memory_space<vmem>>
      %dma_start3A_283 = tpu.memref_squeeze %dma_start3A_282 : memref<1x128xi32, #tpu.memory_space<vmem>> -> memref<128xi32, #tpu.memory_space<vmem>>
      %dma_start3A_284 = tpu.memref_slice %arg2[%add3A_21] : memref<16384xi32, #tpu.memory_space<hbm>> -> memref<128xi32, #tpu.memory_space<hbm>>
      tpu.enqueue_dma source(%dma_start3A_284 : memref<128xi32, #tpu.memory_space<hbm>>) target(%dma_start3A_283 : memref<128xi32, #tpu.memory_space<vmem>>) target_semaphore(%run_scoped3A_276 : memref<!tpu.dma_semaphore, #tpu.memory_space<semaphore_mem>>)
      %dma_wait3A_285 = arith.constant 0 : i32
      %dma_wait3A_286 = tpu.memref_slice %arg7[%run_scoped3A_22, %dma_wait3A_285] : memref<4x128xi32, #tpu.memory_space<vmem>> -> memref<1x128xi32, #tpu.memory_space<vmem>>
      %dma_wait3A_287 = tpu.memref_squeeze %dma_wait3A_286 : memref<1x128xi32, #tpu.memory_space<vmem>> -> memref<128xi32, #tpu.memory_space<vmem>>
      %dma_wait3A_288 = tpu.memref_slice %arg2[%add3A_21] : memref<16384xi32, #tpu.memory_space<hbm>> -> memref<128xi32, #tpu.memory_space<hbm>>
      %dma_wait3A_289 = arith.constant 0 : i32
      %dma_wait3A_290 = tpu.memref_slice %arg7[%run_scoped3A_22, %dma_wait3A_289] : memref<4x128xi32, #tpu.memory_space<vmem>> -> memref<1x128xi32, #tpu.memory_space<vmem>>
      %dma_wait3A_291 = tpu.memref_squeeze %dma_wait3A_290 : memref<1x128xi32, #tpu.memory_space<vmem>> -> memref<128xi32, #tpu.memory_space<vmem>>
      %dma_wait3A_292 = tpu.memref_slice %arg2[%add3A_21] : memref<16384xi32, #tpu.memory_space<hbm>> -> memref<128xi32, #tpu.memory_space<hbm>>
      tpu.wait_dma2 semaphore(%run_scoped3A_276 : memref<!tpu.dma_semaphore, #tpu.memory_space<semaphore_mem>>) src(%dma_wait3A_292 : memref<128xi32, #tpu.memory_space<hbm>>) dst(%dma_wait3A_291 : memref<128xi32, #tpu.memory_space<vmem>>)
      tpu.yield
    }) : () -> ()
    %add3A_23 = arith.constant 384 : i32
    %add3A_24 = arith.addi %mul3A_2, %add3A_23 : i32
    %run_scoped3A_25 = arith.constant 3 : i32
    "tpu.region"() ({
      %run_scoped3A_276 = tpu.sem_alloc : memref<!tpu.dma_semaphore, #tpu.memory_space<semaphore_mem>>
      %dma_start3A_277 = arith.constant 0 : i32
      %dma_start3A_278 = tpu.memref_slice %arg8[%run_scoped3A_25, %dma_start3A_277] : memref<4x128xi32, #tpu.memory_space<vmem>> -> memref<1x128xi32, #tpu.memory_space<vmem>>
      %dma_start3A_279 = tpu.memref_squeeze %dma_start3A_278 : memref<1x128xi32, #tpu.memory_space<vmem>> -> memref<128xi32, #tpu.memory_space<vmem>>
      %dma_start3A_280 = tpu.memref_slice %arg3[%add3A_24] : memref<16384xi32, #tpu.memory_space<hbm>> -> memref<128xi32, #tpu.memory_space<hbm>>
      %dma_start3A_281 = arith.constant 0 : i32
      %dma_start3A_282 = tpu.memref_slice %arg8[%run_scoped3A_25, %dma_start3A_281] : memref<4x128xi32, #tpu.memory_space<vmem>> -> memref<1x128xi32, #tpu.memory_space<vmem>>
      %dma_start3A_283 = tpu.memref_squeeze %dma_start3A_282 : memref<1x128xi32, #tpu.memory_space<vmem>> -> memref<128xi32, #tpu.memory_space<vmem>>
      %dma_start3A_284 = tpu.memref_slice %arg3[%add3A_24] : memref<16384xi32, #tpu.memory_space<hbm>> -> memref<128xi32, #tpu.memory_space<hbm>>
      tpu.enqueue_dma source(%dma_start3A_284 : memref<128xi32, #tpu.memory_space<hbm>>) target(%dma_start3A_283 : memref<128xi32, #tpu.memory_space<vmem>>) target_semaphore(%run_scoped3A_276 : memref<!tpu.dma_semaphore, #tpu.memory_space<semaphore_mem>>)
      %dma_wait3A_285 = arith.constant 0 : i32
      %dma_wait3A_286 = tpu.memref_slice %arg8[%run_scoped3A_25, %dma_wait3A_285] : memref<4x128xi32, #tpu.memory_space<vmem>> -> memref<1x128xi32, #tpu.memory_space<vmem>>
      %dma_wait3A_287 = tpu.memref_squeeze %dma_wait3A_286 : memref<1x128xi32, #tpu.memory_space<vmem>> -> memref<128xi32, #tpu.memory_space<vmem>>
      %dma_wait3A_288 = tpu.memref_slice %arg3[%add3A_24] : memref<16384xi32, #tpu.memory_space<hbm>> -> memref<128xi32, #tpu.memory_space<hbm>>
      %dma_wait3A_289 = arith.constant 0 : i32
      %dma_wait3A_290 = tpu.memref_slice %arg8[%run_scoped3A_25, %dma_wait3A_289] : memref<4x128xi32, #tpu.memory_space<vmem>> -> memref<1x128xi32, #tpu.memory_space<vmem>>
      %dma_wait3A_291 = tpu.memref_squeeze %dma_wait3A_290 : memref<1x128xi32, #tpu.memory_space<vmem>> -> memref<128xi32, #tpu.memory_space<vmem>>
      %dma_wait3A_292 = tpu.memref_slice %arg3[%add3A_24] : memref<16384xi32, #tpu.memory_space<hbm>> -> memref<128xi32, #tpu.memory_space<hbm>>
      tpu.wait_dma2 semaphore(%run_scoped3A_276 : memref<!tpu.dma_semaphore, #tpu.memory_space<semaphore_mem>>) src(%dma_wait3A_292 : memref<128xi32, #tpu.memory_space<hbm>>) dst(%dma_wait3A_291 : memref<128xi32, #tpu.memory_space<vmem>>)
      tpu.yield
    }) : () -> ()
    %dma_start3A = arith.constant 0 : i32
    %dma_start3A_26 = arith.constant 0 : i32
    %dma_start3A_27 = arith.constant 0 : i32
    %dma_start3A_28 = tpu.memref_slice %arg9[%dma_start3A_26, %dma_start3A_27] : memref<512x32xf32, #tpu.memory_space<vmem>> -> memref<128x32xf32, #tpu.memory_space<vmem>>
    %dma_start3A_29 = arith.constant 0 : i32
    %dma_start3A_30 = tpu.memref_slice %arg7[%dma_start3A, %dma_start3A_29] : memref<4x128xi32, #tpu.memory_space<vmem>> -> memref<1x128xi32, #tpu.memory_space<vmem>>
    %dma_start3A_31 = tpu.memref_squeeze %dma_start3A_30 : memref<1x128xi32, #tpu.memory_space<vmem>> -> memref<128xi32, #tpu.memory_space<vmem>>
    %dma_start3A_32 = arith.constant 0 : i32
    %dma_start3A_33 = arith.constant 0 : i32
    %dma_start3A_34 = tpu.memref_slice %arg4[%dma_start3A_32, %dma_start3A_33] : memref<1000000x32xf32, #tpu.memory_space<hbm>> -> memref<1000000x32xf32, #tpu.memory_space<hbm>>
    tpu.enqueue_indirect_dma source(%dma_start3A_34 : memref<1000000x32xf32, #tpu.memory_space<hbm>>) target(%dma_start3A_28 : memref<128x32xf32, #tpu.memory_space<vmem>>) offsets(%dma_start3A_31 : memref<128xi32, #tpu.memory_space<vmem>>) semaphore(%arg12 : memref<!tpu.dma_semaphore, #tpu.memory_space<semaphore_mem>>)
    %dma_start3A_35 = arith.constant 0 : i32
    %dma_start3A_36 = arith.constant 0 : i32
    %dma_start3A_37 = arith.constant 0 : i32
    %dma_start3A_38 = tpu.memref_slice %arg10[%dma_start3A_36, %dma_start3A_37] : memref<512x32xf32, #tpu.memory_space<vmem>> -> memref<128x32xf32, #tpu.memory_space<vmem>>
    %dma_start3A_39 = arith.constant 0 : i32
    %dma_start3A_40 = tpu.memref_slice %arg8[%dma_start3A_35, %dma_start3A_39] : memref<4x128xi32, #tpu.memory_space<vmem>> -> memref<1x128xi32, #tpu.memory_space<vmem>>
    %dma_start3A_41 = tpu.memref_squeeze %dma_start3A_40 : memref<1x128xi32, #tpu.memory_space<vmem>> -> memref<128xi32, #tpu.memory_space<vmem>>
    %dma_start3A_42 = arith.constant 0 : i32
    %dma_start3A_43 = arith.constant 0 : i32
    %dma_start3A_44 = tpu.memref_slice %arg5[%dma_start3A_42, %dma_start3A_43] : memref<1000000x32xf32, #tpu.memory_space<hbm>> -> memref<1000000x32xf32, #tpu.memory_space<hbm>>
    tpu.enqueue_indirect_dma source(%dma_start3A_44 : memref<1000000x32xf32, #tpu.memory_space<hbm>>) target(%dma_start3A_38 : memref<128x32xf32, #tpu.memory_space<vmem>>) offsets(%dma_start3A_41 : memref<128xi32, #tpu.memory_space<vmem>>) semaphore(%arg12 : memref<!tpu.dma_semaphore, #tpu.memory_space<semaphore_mem>>)
    %dma_start3A_45 = arith.constant 1 : i32
    %dma_start3A_46 = arith.constant 128 : i32
    %dma_start3A_47 = arith.constant 0 : i32
    %dma_start3A_48 = tpu.memref_slice %arg9[%dma_start3A_46, %dma_start3A_47] : memref<512x32xf32, #tpu.memory_space<vmem>> -> memref<128x32xf32, #tpu.memory_space<vmem>>
    %dma_start3A_49 = arith.constant 0 : i32
    %dma_start3A_50 = tpu.memref_slice %arg7[%dma_start3A_45, %dma_start3A_49] : memref<4x128xi32, #tpu.memory_space<vmem>> -> memref<1x128xi32, #tpu.memory_space<vmem>>
    %dma_start3A_51 = tpu.memref_squeeze %dma_start3A_50 : memref<1x128xi32, #tpu.memory_space<vmem>> -> memref<128xi32, #tpu.memory_space<vmem>>
    %dma_start3A_52 = arith.constant 0 : i32
    %dma_start3A_53 = arith.constant 0 : i32
    %dma_start3A_54 = tpu.memref_slice %arg4[%dma_start3A_52, %dma_start3A_53] : memref<1000000x32xf32, #tpu.memory_space<hbm>> -> memref<1000000x32xf32, #tpu.memory_space<hbm>>
    tpu.enqueue_indirect_dma source(%dma_start3A_54 : memref<1000000x32xf32, #tpu.memory_space<hbm>>) target(%dma_start3A_48 : memref<128x32xf32, #tpu.memory_space<vmem>>) offsets(%dma_start3A_51 : memref<128xi32, #tpu.memory_space<vmem>>) semaphore(%arg12 : memref<!tpu.dma_semaphore, #tpu.memory_space<semaphore_mem>>)
    %dma_start3A_55 = arith.constant 1 : i32
    %dma_start3A_56 = arith.constant 128 : i32
    %dma_start3A_57 = arith.constant 0 : i32
    %dma_start3A_58 = tpu.memref_slice %arg10[%dma_start3A_56, %dma_start3A_57] : memref<512x32xf32, #tpu.memory_space<vmem>> -> memref<128x32xf32, #tpu.memory_space<vmem>>
    %dma_start3A_59 = arith.constant 0 : i32
    %dma_start3A_60 = tpu.memref_slice %arg8[%dma_start3A_55, %dma_start3A_59] : memref<4x128xi32, #tpu.memory_space<vmem>> -> memref<1x128xi32, #tpu.memory_space<vmem>>
    %dma_start3A_61 = tpu.memref_squeeze %dma_start3A_60 : memref<1x128xi32, #tpu.memory_space<vmem>> -> memref<128xi32, #tpu.memory_space<vmem>>
    %dma_start3A_62 = arith.constant 0 : i32
    %dma_start3A_63 = arith.constant 0 : i32
    %dma_start3A_64 = tpu.memref_slice %arg5[%dma_start3A_62, %dma_start3A_63] : memref<1000000x32xf32, #tpu.memory_space<hbm>> -> memref<1000000x32xf32, #tpu.memory_space<hbm>>
    tpu.enqueue_indirect_dma source(%dma_start3A_64 : memref<1000000x32xf32, #tpu.memory_space<hbm>>) target(%dma_start3A_58 : memref<128x32xf32, #tpu.memory_space<vmem>>) offsets(%dma_start3A_61 : memref<128xi32, #tpu.memory_space<vmem>>) semaphore(%arg12 : memref<!tpu.dma_semaphore, #tpu.memory_space<semaphore_mem>>)
    %dma_start3A_65 = arith.constant 2 : i32
    %dma_start3A_66 = arith.constant 256 : i32
    %dma_start3A_67 = arith.constant 0 : i32
    %dma_start3A_68 = tpu.memref_slice %arg9[%dma_start3A_66, %dma_start3A_67] : memref<512x32xf32, #tpu.memory_space<vmem>> -> memref<128x32xf32, #tpu.memory_space<vmem>>
    %dma_start3A_69 = arith.constant 0 : i32
    %dma_start3A_70 = tpu.memref_slice %arg7[%dma_start3A_65, %dma_start3A_69] : memref<4x128xi32, #tpu.memory_space<vmem>> -> memref<1x128xi32, #tpu.memory_space<vmem>>
    %dma_start3A_71 = tpu.memref_squeeze %dma_start3A_70 : memref<1x128xi32, #tpu.memory_space<vmem>> -> memref<128xi32, #tpu.memory_space<vmem>>
    %dma_start3A_72 = arith.constant 0 : i32
    %dma_start3A_73 = arith.constant 0 : i32
    %dma_start3A_74 = tpu.memref_slice %arg4[%dma_start3A_72, %dma_start3A_73] : memref<1000000x32xf32, #tpu.memory_space<hbm>> -> memref<1000000x32xf32, #tpu.memory_space<hbm>>
    tpu.enqueue_indirect_dma source(%dma_start3A_74 : memref<1000000x32xf32, #tpu.memory_space<hbm>>) target(%dma_start3A_68 : memref<128x32xf32, #tpu.memory_space<vmem>>) offsets(%dma_start3A_71 : memref<128xi32, #tpu.memory_space<vmem>>) semaphore(%arg12 : memref<!tpu.dma_semaphore, #tpu.memory_space<semaphore_mem>>)
    %dma_start3A_75 = arith.constant 2 : i32
    %dma_start3A_76 = arith.constant 256 : i32
    %dma_start3A_77 = arith.constant 0 : i32
    %dma_start3A_78 = tpu.memref_slice %arg10[%dma_start3A_76, %dma_start3A_77] : memref<512x32xf32, #tpu.memory_space<vmem>> -> memref<128x32xf32, #tpu.memory_space<vmem>>
    %dma_start3A_79 = arith.constant 0 : i32
    %dma_start3A_80 = tpu.memref_slice %arg8[%dma_start3A_75, %dma_start3A_79] : memref<4x128xi32, #tpu.memory_space<vmem>> -> memref<1x128xi32, #tpu.memory_space<vmem>>
    %dma_start3A_81 = tpu.memref_squeeze %dma_start3A_80 : memref<1x128xi32, #tpu.memory_space<vmem>> -> memref<128xi32, #tpu.memory_space<vmem>>
    %dma_start3A_82 = arith.constant 0 : i32
    %dma_start3A_83 = arith.constant 0 : i32
    %dma_start3A_84 = tpu.memref_slice %arg5[%dma_start3A_82, %dma_start3A_83] : memref<1000000x32xf32, #tpu.memory_space<hbm>> -> memref<1000000x32xf32, #tpu.memory_space<hbm>>
    tpu.enqueue_indirect_dma source(%dma_start3A_84 : memref<1000000x32xf32, #tpu.memory_space<hbm>>) target(%dma_start3A_78 : memref<128x32xf32, #tpu.memory_space<vmem>>) offsets(%dma_start3A_81 : memref<128xi32, #tpu.memory_space<vmem>>) semaphore(%arg12 : memref<!tpu.dma_semaphore, #tpu.memory_space<semaphore_mem>>)
    %dma_start3A_85 = arith.constant 3 : i32
    %dma_start3A_86 = arith.constant 384 : i32
    %dma_start3A_87 = arith.constant 0 : i32
    %dma_start3A_88 = tpu.memref_slice %arg9[%dma_start3A_86, %dma_start3A_87] : memref<512x32xf32, #tpu.memory_space<vmem>> -> memref<128x32xf32, #tpu.memory_space<vmem>>
    %dma_start3A_89 = arith.constant 0 : i32
    %dma_start3A_90 = tpu.memref_slice %arg7[%dma_start3A_85, %dma_start3A_89] : memref<4x128xi32, #tpu.memory_space<vmem>> -> memref<1x128xi32, #tpu.memory_space<vmem>>
    %dma_start3A_91 = tpu.memref_squeeze %dma_start3A_90 : memref<1x128xi32, #tpu.memory_space<vmem>> -> memref<128xi32, #tpu.memory_space<vmem>>
    %dma_start3A_92 = arith.constant 0 : i32
    %dma_start3A_93 = arith.constant 0 : i32
    %dma_start3A_94 = tpu.memref_slice %arg4[%dma_start3A_92, %dma_start3A_93] : memref<1000000x32xf32, #tpu.memory_space<hbm>> -> memref<1000000x32xf32, #tpu.memory_space<hbm>>
    tpu.enqueue_indirect_dma source(%dma_start3A_94 : memref<1000000x32xf32, #tpu.memory_space<hbm>>) target(%dma_start3A_88 : memref<128x32xf32, #tpu.memory_space<vmem>>) offsets(%dma_start3A_91 : memref<128xi32, #tpu.memory_space<vmem>>) semaphore(%arg12 : memref<!tpu.dma_semaphore, #tpu.memory_space<semaphore_mem>>)
    %dma_start3A_95 = arith.constant 3 : i32
    %dma_start3A_96 = arith.constant 384 : i32
    %dma_start3A_97 = arith.constant 0 : i32
    %dma_start3A_98 = tpu.memref_slice %arg10[%dma_start3A_96, %dma_start3A_97] : memref<512x32xf32, #tpu.memory_space<vmem>> -> memref<128x32xf32, #tpu.memory_space<vmem>>
    %dma_start3A_99 = arith.constant 0 : i32
    %dma_start3A_100 = tpu.memref_slice %arg8[%dma_start3A_95, %dma_start3A_99] : memref<4x128xi32, #tpu.memory_space<vmem>> -> memref<1x128xi32, #tpu.memory_space<vmem>>
    %dma_start3A_101 = tpu.memref_squeeze %dma_start3A_100 : memref<1x128xi32, #tpu.memory_space<vmem>> -> memref<128xi32, #tpu.memory_space<vmem>>
    %dma_start3A_102 = arith.constant 0 : i32
    %dma_start3A_103 = arith.constant 0 : i32
    %dma_start3A_104 = tpu.memref_slice %arg5[%dma_start3A_102, %dma_start3A_103] : memref<1000000x32xf32, #tpu.memory_space<hbm>> -> memref<1000000x32xf32, #tpu.memory_space<hbm>>
    tpu.enqueue_indirect_dma source(%dma_start3A_104 : memref<1000000x32xf32, #tpu.memory_space<hbm>>) target(%dma_start3A_98 : memref<128x32xf32, #tpu.memory_space<vmem>>) offsets(%dma_start3A_101 : memref<128xi32, #tpu.memory_space<vmem>>) semaphore(%arg12 : memref<!tpu.dma_semaphore, #tpu.memory_space<semaphore_mem>>)
    %dma_wait3A = arith.constant 0 : i32
    %dma_wait3A_105 = arith.constant 0 : i32
    %dma_wait3A_106 = arith.constant 0 : i32
    %dma_wait3A_107 = tpu.memref_slice %arg9[%dma_wait3A_105, %dma_wait3A_106] : memref<512x32xf32, #tpu.memory_space<vmem>> -> memref<128x32xf32, #tpu.memory_space<vmem>>
    %dma_wait3A_108 = arith.constant 0 : i32
    %dma_wait3A_109 = tpu.memref_slice %arg7[%dma_wait3A, %dma_wait3A_108] : memref<4x128xi32, #tpu.memory_space<vmem>> -> memref<1x128xi32, #tpu.memory_space<vmem>>
    %dma_wait3A_110 = tpu.memref_squeeze %dma_wait3A_109 : memref<1x128xi32, #tpu.memory_space<vmem>> -> memref<128xi32, #tpu.memory_space<vmem>>
    %dma_wait3A_111 = arith.constant 0 : i32
    %dma_wait3A_112 = arith.constant 0 : i32
    %dma_wait3A_113 = tpu.memref_slice %arg4[%dma_wait3A_111, %dma_wait3A_112] : memref<1000000x32xf32, #tpu.memory_space<hbm>> -> memref<1000000x32xf32, #tpu.memory_space<hbm>>
    tpu.wait_indirect_dma semaphore(%arg12 : memref<!tpu.dma_semaphore, #tpu.memory_space<semaphore_mem>>) src(%dma_wait3A_113 : memref<1000000x32xf32, #tpu.memory_space<hbm>>) dst(%dma_wait3A_107 : memref<128x32xf32, #tpu.memory_space<vmem>>)
    %dma_wait3A_114 = arith.constant 0 : i32
    %dma_wait3A_115 = arith.constant 0 : i32
    %dma_wait3A_116 = arith.constant 0 : i32
    %dma_wait3A_117 = tpu.memref_slice %arg10[%dma_wait3A_115, %dma_wait3A_116] : memref<512x32xf32, #tpu.memory_space<vmem>> -> memref<128x32xf32, #tpu.memory_space<vmem>>
    %dma_wait3A_118 = arith.constant 0 : i32
    %dma_wait3A_119 = tpu.memref_slice %arg8[%dma_wait3A_114, %dma_wait3A_118] : memref<4x128xi32, #tpu.memory_space<vmem>> -> memref<1x128xi32, #tpu.memory_space<vmem>>
    %dma_wait3A_120 = tpu.memref_squeeze %dma_wait3A_119 : memref<1x128xi32, #tpu.memory_space<vmem>> -> memref<128xi32, #tpu.memory_space<vmem>>
    %dma_wait3A_121 = arith.constant 0 : i32
    %dma_wait3A_122 = arith.constant 0 : i32
    %dma_wait3A_123 = tpu.memref_slice %arg5[%dma_wait3A_121, %dma_wait3A_122] : memref<1000000x32xf32, #tpu.memory_space<hbm>> -> memref<1000000x32xf32, #tpu.memory_space<hbm>>
    tpu.wait_indirect_dma semaphore(%arg12 : memref<!tpu.dma_semaphore, #tpu.memory_space<semaphore_mem>>) src(%dma_wait3A_123 : memref<1000000x32xf32, #tpu.memory_space<hbm>>) dst(%dma_wait3A_117 : memref<128x32xf32, #tpu.memory_space<vmem>>)
    %dma_wait3A_124 = arith.constant 1 : i32
    %dma_wait3A_125 = arith.constant 128 : i32
    %dma_wait3A_126 = arith.constant 0 : i32
    %dma_wait3A_127 = tpu.memref_slice %arg9[%dma_wait3A_125, %dma_wait3A_126] : memref<512x32xf32, #tpu.memory_space<vmem>> -> memref<128x32xf32, #tpu.memory_space<vmem>>
    %dma_wait3A_128 = arith.constant 0 : i32
    %dma_wait3A_129 = tpu.memref_slice %arg7[%dma_wait3A_124, %dma_wait3A_128] : memref<4x128xi32, #tpu.memory_space<vmem>> -> memref<1x128xi32, #tpu.memory_space<vmem>>
    %dma_wait3A_130 = tpu.memref_squeeze %dma_wait3A_129 : memref<1x128xi32, #tpu.memory_space<vmem>> -> memref<128xi32, #tpu.memory_space<vmem>>
    %dma_wait3A_131 = arith.constant 0 : i32
    %dma_wait3A_132 = arith.constant 0 : i32
    %dma_wait3A_133 = tpu.memref_slice %arg4[%dma_wait3A_131, %dma_wait3A_132] : memref<1000000x32xf32, #tpu.memory_space<hbm>> -> memref<1000000x32xf32, #tpu.memory_space<hbm>>
    tpu.wait_indirect_dma semaphore(%arg12 : memref<!tpu.dma_semaphore, #tpu.memory_space<semaphore_mem>>) src(%dma_wait3A_133 : memref<1000000x32xf32, #tpu.memory_space<hbm>>) dst(%dma_wait3A_127 : memref<128x32xf32, #tpu.memory_space<vmem>>)
    %dma_wait3A_134 = arith.constant 1 : i32
    %dma_wait3A_135 = arith.constant 128 : i32
    %dma_wait3A_136 = arith.constant 0 : i32
    %dma_wait3A_137 = tpu.memref_slice %arg10[%dma_wait3A_135, %dma_wait3A_136] : memref<512x32xf32, #tpu.memory_space<vmem>> -> memref<128x32xf32, #tpu.memory_space<vmem>>
    %dma_wait3A_138 = arith.constant 0 : i32
    %dma_wait3A_139 = tpu.memref_slice %arg8[%dma_wait3A_134, %dma_wait3A_138] : memref<4x128xi32, #tpu.memory_space<vmem>> -> memref<1x128xi32, #tpu.memory_space<vmem>>
    %dma_wait3A_140 = tpu.memref_squeeze %dma_wait3A_139 : memref<1x128xi32, #tpu.memory_space<vmem>> -> memref<128xi32, #tpu.memory_space<vmem>>
    %dma_wait3A_141 = arith.constant 0 : i32
    %dma_wait3A_142 = arith.constant 0 : i32
    %dma_wait3A_143 = tpu.memref_slice %arg5[%dma_wait3A_141, %dma_wait3A_142] : memref<1000000x32xf32, #tpu.memory_space<hbm>> -> memref<1000000x32xf32, #tpu.memory_space<hbm>>
    tpu.wait_indirect_dma semaphore(%arg12 : memref<!tpu.dma_semaphore, #tpu.memory_space<semaphore_mem>>) src(%dma_wait3A_143 : memref<1000000x32xf32, #tpu.memory_space<hbm>>) dst(%dma_wait3A_137 : memref<128x32xf32, #tpu.memory_space<vmem>>)
    %dma_wait3A_144 = arith.constant 2 : i32
    %dma_wait3A_145 = arith.constant 256 : i32
    %dma_wait3A_146 = arith.constant 0 : i32
    %dma_wait3A_147 = tpu.memref_slice %arg9[%dma_wait3A_145, %dma_wait3A_146] : memref<512x32xf32, #tpu.memory_space<vmem>> -> memref<128x32xf32, #tpu.memory_space<vmem>>
    %dma_wait3A_148 = arith.constant 0 : i32
    %dma_wait3A_149 = tpu.memref_slice %arg7[%dma_wait3A_144, %dma_wait3A_148] : memref<4x128xi32, #tpu.memory_space<vmem>> -> memref<1x128xi32, #tpu.memory_space<vmem>>
    %dma_wait3A_150 = tpu.memref_squeeze %dma_wait3A_149 : memref<1x128xi32, #tpu.memory_space<vmem>> -> memref<128xi32, #tpu.memory_space<vmem>>
    %dma_wait3A_151 = arith.constant 0 : i32
    %dma_wait3A_152 = arith.constant 0 : i32
    %dma_wait3A_153 = tpu.memref_slice %arg4[%dma_wait3A_151, %dma_wait3A_152] : memref<1000000x32xf32, #tpu.memory_space<hbm>> -> memref<1000000x32xf32, #tpu.memory_space<hbm>>
    tpu.wait_indirect_dma semaphore(%arg12 : memref<!tpu.dma_semaphore, #tpu.memory_space<semaphore_mem>>) src(%dma_wait3A_153 : memref<1000000x32xf32, #tpu.memory_space<hbm>>) dst(%dma_wait3A_147 : memref<128x32xf32, #tpu.memory_space<vmem>>)
    %dma_wait3A_154 = arith.constant 2 : i32
    %dma_wait3A_155 = arith.constant 256 : i32
    %dma_wait3A_156 = arith.constant 0 : i32
    %dma_wait3A_157 = tpu.memref_slice %arg10[%dma_wait3A_155, %dma_wait3A_156] : memref<512x32xf32, #tpu.memory_space<vmem>> -> memref<128x32xf32, #tpu.memory_space<vmem>>
    %dma_wait3A_158 = arith.constant 0 : i32
    %dma_wait3A_159 = tpu.memref_slice %arg8[%dma_wait3A_154, %dma_wait3A_158] : memref<4x128xi32, #tpu.memory_space<vmem>> -> memref<1x128xi32, #tpu.memory_space<vmem>>
    %dma_wait3A_160 = tpu.memref_squeeze %dma_wait3A_159 : memref<1x128xi32, #tpu.memory_space<vmem>> -> memref<128xi32, #tpu.memory_space<vmem>>
    %dma_wait3A_161 = arith.constant 0 : i32
    %dma_wait3A_162 = arith.constant 0 : i32
    %dma_wait3A_163 = tpu.memref_slice %arg5[%dma_wait3A_161, %dma_wait3A_162] : memref<1000000x32xf32, #tpu.memory_space<hbm>> -> memref<1000000x32xf32, #tpu.memory_space<hbm>>
    tpu.wait_indirect_dma semaphore(%arg12 : memref<!tpu.dma_semaphore, #tpu.memory_space<semaphore_mem>>) src(%dma_wait3A_163 : memref<1000000x32xf32, #tpu.memory_space<hbm>>) dst(%dma_wait3A_157 : memref<128x32xf32, #tpu.memory_space<vmem>>)
    %dma_wait3A_164 = arith.constant 3 : i32
    %dma_wait3A_165 = arith.constant 384 : i32
    %dma_wait3A_166 = arith.constant 0 : i32
    %dma_wait3A_167 = tpu.memref_slice %arg9[%dma_wait3A_165, %dma_wait3A_166] : memref<512x32xf32, #tpu.memory_space<vmem>> -> memref<128x32xf32, #tpu.memory_space<vmem>>
    %dma_wait3A_168 = arith.constant 0 : i32
    %dma_wait3A_169 = tpu.memref_slice %arg7[%dma_wait3A_164, %dma_wait3A_168] : memref<4x128xi32, #tpu.memory_space<vmem>> -> memref<1x128xi32, #tpu.memory_space<vmem>>
    %dma_wait3A_170 = tpu.memref_squeeze %dma_wait3A_169 : memref<1x128xi32, #tpu.memory_space<vmem>> -> memref<128xi32, #tpu.memory_space<vmem>>
    %dma_wait3A_171 = arith.constant 0 : i32
    %dma_wait3A_172 = arith.constant 0 : i32
    %dma_wait3A_173 = tpu.memref_slice %arg4[%dma_wait3A_171, %dma_wait3A_172] : memref<1000000x32xf32, #tpu.memory_space<hbm>> -> memref<1000000x32xf32, #tpu.memory_space<hbm>>
    tpu.wait_indirect_dma semaphore(%arg12 : memref<!tpu.dma_semaphore, #tpu.memory_space<semaphore_mem>>) src(%dma_wait3A_173 : memref<1000000x32xf32, #tpu.memory_space<hbm>>) dst(%dma_wait3A_167 : memref<128x32xf32, #tpu.memory_space<vmem>>)
    %dma_wait3A_174 = arith.constant 3 : i32
    %dma_wait3A_175 = arith.constant 384 : i32
    %dma_wait3A_176 = arith.constant 0 : i32
    %dma_wait3A_177 = tpu.memref_slice %arg10[%dma_wait3A_175, %dma_wait3A_176] : memref<512x32xf32, #tpu.memory_space<vmem>> -> memref<128x32xf32, #tpu.memory_space<vmem>>
    %dma_wait3A_178 = arith.constant 0 : i32
    %dma_wait3A_179 = tpu.memref_slice %arg8[%dma_wait3A_174, %dma_wait3A_178] : memref<4x128xi32, #tpu.memory_space<vmem>> -> memref<1x128xi32, #tpu.memory_space<vmem>>
    %dma_wait3A_180 = tpu.memref_squeeze %dma_wait3A_179 : memref<1x128xi32, #tpu.memory_space<vmem>> -> memref<128xi32, #tpu.memory_space<vmem>>
    %dma_wait3A_181 = arith.constant 0 : i32
    %dma_wait3A_182 = arith.constant 0 : i32
    %dma_wait3A_183 = tpu.memref_slice %arg5[%dma_wait3A_181, %dma_wait3A_182] : memref<1000000x32xf32, #tpu.memory_space<hbm>> -> memref<1000000x32xf32, #tpu.memory_space<hbm>>
    tpu.wait_indirect_dma semaphore(%arg12 : memref<!tpu.dma_semaphore, #tpu.memory_space<semaphore_mem>>) src(%dma_wait3A_183 : memref<1000000x32xf32, #tpu.memory_space<hbm>>) dst(%dma_wait3A_177 : memref<128x32xf32, #tpu.memory_space<vmem>>)
    %iota3A = tpu.iota {dimensions = array<i32: 0>} : vector<16xi32>
    %add3A_184 = arith.constant 1 : i32
    %add3A_185 = vector.broadcast %add3A_184 : i32 to vector<16xi32>
    %add3A_186 = arith.addi %iota3A, %add3A_185 : vector<16xi32>
    %and3A = arith.constant 15 : i32
    %and3A_187 = vector.broadcast %and3A : i32 to vector<16xi32>
    %and3A_188 = arith.andi %add3A_186, %and3A_187 : vector<16xi32>
    %add3A_189 = arith.constant 2 : i32
    %add3A_190 = vector.broadcast %add3A_189 : i32 to vector<16xi32>
    %add3A_191 = arith.addi %iota3A, %add3A_190 : vector<16xi32>
    %and3A_192 = arith.constant 15 : i32
    %and3A_193 = vector.broadcast %and3A_192 : i32 to vector<16xi32>
    %and3A_194 = arith.andi %add3A_191, %and3A_193 : vector<16xi32>
    %add3A_195 = arith.constant 4 : i32
    %add3A_196 = vector.broadcast %add3A_195 : i32 to vector<16xi32>
    %add3A_197 = arith.addi %iota3A, %add3A_196 : vector<16xi32>
    %and3A_198 = arith.constant 15 : i32
    %and3A_199 = vector.broadcast %and3A_198 : i32 to vector<16xi32>
    %and3A_200 = arith.andi %add3A_197, %and3A_199 : vector<16xi32>
    %add3A_201 = arith.constant 8 : i32
    %add3A_202 = vector.broadcast %add3A_201 : i32 to vector<16xi32>
    %add3A_203 = arith.addi %iota3A, %add3A_202 : vector<16xi32>
    %and3A_204 = arith.constant 15 : i32
    %and3A_205 = vector.broadcast %and3A_204 : i32 to vector<16xi32>
    %and3A_206 = arith.andi %add3A_203, %and3A_205 : vector<16xi32>
    %add3A_207 = arith.constant 15 : i32
    %add3A_208 = vector.broadcast %add3A_207 : i32 to vector<16xi32>
    %add3A_209 = arith.addi %iota3A, %add3A_208 : vector<16xi32>
    %and3A_210 = arith.constant 15 : i32
    %and3A_211 = vector.broadcast %and3A_210 : i32 to vector<16xi32>
    %and3A_212 = arith.andi %add3A_209, %and3A_211 : vector<16xi32>
    %add3A_213 = arith.constant 14 : i32
    %add3A_214 = vector.broadcast %add3A_213 : i32 to vector<16xi32>
    %add3A_215 = arith.addi %iota3A, %add3A_214 : vector<16xi32>
    %and3A_216 = arith.constant 15 : i32
    %and3A_217 = vector.broadcast %and3A_216 : i32 to vector<16xi32>
    %and3A_218 = arith.andi %add3A_215, %and3A_217 : vector<16xi32>
    %add3A_219 = arith.constant 12 : i32
    %add3A_220 = vector.broadcast %add3A_219 : i32 to vector<16xi32>
    %add3A_221 = arith.addi %iota3A, %add3A_220 : vector<16xi32>
    %and3A_222 = arith.constant 15 : i32
    %and3A_223 = vector.broadcast %and3A_222 : i32 to vector<16xi32>
    %and3A_224 = arith.andi %add3A_221, %and3A_223 : vector<16xi32>
    %and3A_225 = arith.constant 1 : i32
    %and3A_226 = vector.broadcast %and3A_225 : i32 to vector<16xi32>
    %and3A_227 = arith.andi %iota3A, %and3A_226 : vector<16xi32>
    %eq3A = arith.constant 0 : i32
    %eq3A_228 = vector.broadcast %eq3A : i32 to vector<16xi32>
    %eq3A_229 = arith.cmpi eq, %and3A_227, %eq3A_228 : vector<16xi32>
    %and3A_230 = arith.constant 2 : i32
    %and3A_231 = vector.broadcast %and3A_230 : i32 to vector<16xi32>
    %and3A_232 = arith.andi %iota3A, %and3A_231 : vector<16xi32>
    %eq3A_233 = arith.constant 0 : i32
    %eq3A_234 = vector.broadcast %eq3A_233 : i32 to vector<16xi32>
    %eq3A_235 = arith.cmpi eq, %and3A_232, %eq3A_234 : vector<16xi32>
    %and3A_236 = arith.constant 4 : i32
    %and3A_237 = vector.broadcast %and3A_236 : i32 to vector<16xi32>
    %and3A_238 = arith.andi %iota3A, %and3A_237 : vector<16xi32>
    %eq3A_239 = arith.constant 0 : i32
    %eq3A_240 = vector.broadcast %eq3A_239 : i32 to vector<16xi32>
    %eq3A_241 = arith.cmpi eq, %and3A_238, %eq3A_240 : vector<16xi32>
    %and3A_242 = arith.constant 8 : i32
    %and3A_243 = vector.broadcast %and3A_242 : i32 to vector<16xi32>
    %and3A_244 = arith.andi %iota3A, %and3A_243 : vector<16xi32>
    %eq3A_245 = arith.constant 0 : i32
    %eq3A_246 = vector.broadcast %eq3A_245 : i32 to vector<16xi32>
    %eq3A_247 = arith.cmpi eq, %and3A_244, %eq3A_246 : vector<16xi32>
    %and3A_248 = arith.constant 1 : i32
    %and3A_249 = vector.broadcast %and3A_248 : i32 to vector<16xi32>
    %and3A_250 = arith.andi %iota3A, %and3A_249 : vector<16xi32>
    %shift_left3A = arith.constant 3 : i32
    %shift_left3A_251 = vector.broadcast %shift_left3A : i32 to vector<16xi32>
    %shift_left3A_252 = arith.shli %and3A_250, %shift_left3A_251 : vector<16xi32>
    %and3A_253 = arith.constant 2 : i32
    %and3A_254 = vector.broadcast %and3A_253 : i32 to vector<16xi32>
    %and3A_255 = arith.andi %iota3A, %and3A_254 : vector<16xi32>
    %shift_left3A_256 = arith.constant 1 : i32
    %shift_left3A_257 = vector.broadcast %shift_left3A_256 : i32 to vector<16xi32>
    %shift_left3A_258 = arith.shli %and3A_255, %shift_left3A_257 : vector<16xi32>
    %or3A = arith.ori %shift_left3A_252, %shift_left3A_258 : vector<16xi32>
    %and3A_259 = arith.constant 4 : i32
    %and3A_260 = vector.broadcast %and3A_259 : i32 to vector<16xi32>
    %and3A_261 = arith.andi %iota3A, %and3A_260 : vector<16xi32>
    %shift_right_arithmetic3A = arith.constant 1 : i32
    %shift_right_arithmetic3A_262 = vector.broadcast %shift_right_arithmetic3A : i32 to vector<16xi32>
    %shift_right_arithmetic3A_263 = arith.shrsi %and3A_261, %shift_right_arithmetic3A_262 : vector<16xi32>
    %or3A_264 = arith.ori %or3A, %shift_right_arithmetic3A_263 : vector<16xi32>
    %and3A_265 = arith.constant 8 : i32
    %and3A_266 = vector.broadcast %and3A_265 : i32 to vector<16xi32>
    %and3A_267 = arith.andi %iota3A, %and3A_266 : vector<16xi32>
    %shift_right_arithmetic3A_268 = arith.constant 3 : i32
    %shift_right_arithmetic3A_269 = vector.broadcast %shift_right_arithmetic3A_268 : i32 to vector<16xi32>
    %shift_right_arithmetic3A_270 = arith.shrsi %and3A_267, %shift_right_arithmetic3A_269 : vector<16xi32>
    %or3A_271 = arith.ori %or3A_264, %shift_right_arithmetic3A_270 : vector<16xi32>
    %scan3A = arith.constant 0 : i32
    %scan3A_272 = arith.constant 32 : i32
    %scan3A_273 = arith.addi %scan3A, %scan3A_272 : i32
    %scan3A_274 = arith.constant 1 : i32
    scf.for %scan3A_276 = %scan3A to %scan3A_273 step %scan3A_274  : i32 {
      %mul3A_277 = arith.constant 16 : i32
      %mul3A_278 = arith.muli %scan3A_276, %mul3A_277 : i32
      %add3A_279 = arith.constant 0 : i32
      %add3A_280 = arith.addi %mul3A_278, %add3A_279 : i32
      %get3A = arith.index_cast %add3A_280 : i32 to index
      %get3A_281 = arith.constant 0 : index
      %get3A_282 = tpu.vector_load %arg9[%get3A, %get3A_281] {strides = array<i32>} : memref<512x32xf32, #tpu.memory_space<vmem>>, vector<1x16xf32>,
      %get3A_283 = vector.shape_cast %get3A_282 : vector<1x16xf32> to vector<16xf32>
      %get3A_284 = arith.index_cast %add3A_280 : i32 to index
      %get3A_285 = arith.constant 16 : index
      %get3A_286 = tpu.vector_load %arg9[%get3A_284, %get3A_285] {strides = array<i32>} : memref<512x32xf32, #tpu.memory_space<vmem>>, vector<1x16xf32>,
      %get3A_287 = vector.shape_cast %get3A_286 : vector<1x16xf32> to vector<16xf32>
      %get3A_288 = arith.index_cast %add3A_280 : i32 to index
      %get3A_289 = arith.constant 0 : index
      %get3A_290 = tpu.vector_load %arg10[%get3A_288, %get3A_289] {strides = array<i32>} : memref<512x32xf32, #tpu.memory_space<vmem>>, vector<1x16xf32>,
      %get3A_291 = vector.shape_cast %get3A_290 : vector<1x16xf32> to vector<16xf32>
      %get3A_292 = arith.index_cast %add3A_280 : i32 to index
      %get3A_293 = arith.constant 16 : index
      %get3A_294 = tpu.vector_load %arg10[%get3A_292, %get3A_293] {strides = array<i32>} : memref<512x32xf32, #tpu.memory_space<vmem>>, vector<1x16xf32>,
      %get3A_295 = vector.shape_cast %get3A_294 : vector<1x16xf32> to vector<16xf32>
      %mul3A_296 = arith.mulf %get3A_283, %get3A_291 : vector<16xf32>
      %mul3A_297 = arith.mulf %get3A_287, %get3A_295 : vector<16xf32>
      %add3A_298 = arith.addf %mul3A_296, %mul3A_297 : vector<16xf32>
      %add3A_299 = arith.constant 1 : i32
      %add3A_300 = arith.addi %mul3A_278, %add3A_299 : i32
      %get3A_301 = arith.index_cast %add3A_300 : i32 to index
      %get3A_302 = arith.constant 0 : index
      %get3A_303 = tpu.vector_load %arg9[%get3A_301, %get3A_302] {strides = array<i32>} : memref<512x32xf32, #tpu.memory_space<vmem>>, vector<1x16xf32>,
      %get3A_304 = vector.shape_cast %get3A_303 : vector<1x16xf32> to vector<16xf32>
      %get3A_305 = arith.index_cast %add3A_300 : i32 to index
      %get3A_306 = arith.constant 16 : index
      %get3A_307 = tpu.vector_load %arg9[%get3A_305, %get3A_306] {strides = array<i32>} : memref<512x32xf32, #tpu.memory_space<vmem>>, vector<1x16xf32>,
      %get3A_308 = vector.shape_cast %get3A_307 : vector<1x16xf32> to vector<16xf32>
      %get3A_309 = arith.index_cast %add3A_300 : i32 to index
      %get3A_310 = arith.constant 0 : index
      %get3A_311 = tpu.vector_load %arg10[%get3A_309, %get3A_310] {strides = array<i32>} : memref<512x32xf32, #tpu.memory_space<vmem>>, vector<1x16xf32>,
      %get3A_312 = vector.shape_cast %get3A_311 : vector<1x16xf32> to vector<16xf32>
      %get3A_313 = arith.index_cast %add3A_300 : i32 to index
      %get3A_314 = arith.constant 16 : index
      %get3A_315 = tpu.vector_load %arg10[%get3A_313, %get3A_314] {strides = array<i32>} : memref<512x32xf32, #tpu.memory_space<vmem>>, vector<1x16xf32>,
      %get3A_316 = vector.shape_cast %get3A_315 : vector<1x16xf32> to vector<16xf32>
      %mul3A_317 = arith.mulf %get3A_304, %get3A_312 : vector<16xf32>
      %mul3A_318 = arith.mulf %get3A_308, %get3A_316 : vector<16xf32>
      %add3A_319 = arith.addf %mul3A_317, %mul3A_318 : vector<16xf32>
      %add3A_320 = arith.constant 2 : i32
      %add3A_321 = arith.addi %mul3A_278, %add3A_320 : i32
      %get3A_322 = arith.index_cast %add3A_321 : i32 to index
      %get3A_323 = arith.constant 0 : index
      %get3A_324 = tpu.vector_load %arg9[%get3A_322, %get3A_323] {strides = array<i32>} : memref<512x32xf32, #tpu.memory_space<vmem>>, vector<1x16xf32>,
      %get3A_325 = vector.shape_cast %get3A_324 : vector<1x16xf32> to vector<16xf32>
      %get3A_326 = arith.index_cast %add3A_321 : i32 to index
      %get3A_327 = arith.constant 16 : index
      %get3A_328 = tpu.vector_load %arg9[%get3A_326, %get3A_327] {strides = array<i32>} : memref<512x32xf32, #tpu.memory_space<vmem>>, vector<1x16xf32>,
      %get3A_329 = vector.shape_cast %get3A_328 : vector<1x16xf32> to vector<16xf32>
      %get3A_330 = arith.index_cast %add3A_321 : i32 to index
      %get3A_331 = arith.constant 0 : index
      %get3A_332 = tpu.vector_load %arg10[%get3A_330, %get3A_331] {strides = array<i32>} : memref<512x32xf32, #tpu.memory_space<vmem>>, vector<1x16xf32>,
      %get3A_333 = vector.shape_cast %get3A_332 : vector<1x16xf32> to vector<16xf32>
      %get3A_334 = arith.index_cast %add3A_321 : i32 to index
      %get3A_335 = arith.constant 16 : index
      %get3A_336 = tpu.vector_load %arg10[%get3A_334, %get3A_335] {strides = array<i32>} : memref<512x32xf32, #tpu.memory_space<vmem>>, vector<1x16xf32>,
      %get3A_337 = vector.shape_cast %get3A_336 : vector<1x16xf32> to vector<16xf32>
      %mul3A_338 = arith.mulf %get3A_325, %get3A_333 : vector<16xf32>
      %mul3A_339 = arith.mulf %get3A_329, %get3A_337 : vector<16xf32>
      %add3A_340 = arith.addf %mul3A_338, %mul3A_339 : vector<16xf32>
      %add3A_341 = arith.constant 3 : i32
      %add3A_342 = arith.addi %mul3A_278, %add3A_341 : i32
      %get3A_343 = arith.index_cast %add3A_342 : i32 to index
      %get3A_344 = arith.constant 0 : index
      %get3A_345 = tpu.vector_load %arg9[%get3A_343, %get3A_344] {strides = array<i32>} : memref<512x32xf32, #tpu.memory_space<vmem>>, vector<1x16xf32>,
      %get3A_346 = vector.shape_cast %get3A_345 : vector<1x16xf32> to vector<16xf32>
      %get3A_347 = arith.index_cast %add3A_342 : i32 to index
      %get3A_348 = arith.constant 16 : index
      %get3A_349 = tpu.vector_load %arg9[%get3A_347, %get3A_348] {strides = array<i32>} : memref<512x32xf32, #tpu.memory_space<vmem>>, vector<1x16xf32>,
      %get3A_350 = vector.shape_cast %get3A_349 : vector<1x16xf32> to vector<16xf32>
      %get3A_351 = arith.index_cast %add3A_342 : i32 to index
      %get3A_352 = arith.constant 0 : index
      %get3A_353 = tpu.vector_load %arg10[%get3A_351, %get3A_352] {strides = array<i32>} : memref<512x32xf32, #tpu.memory_space<vmem>>, vector<1x16xf32>,
      %get3A_354 = vector.shape_cast %get3A_353 : vector<1x16xf32> to vector<16xf32>
      %get3A_355 = arith.index_cast %add3A_342 : i32 to index
      %get3A_356 = arith.constant 16 : index
      %get3A_357 = tpu.vector_load %arg10[%get3A_355, %get3A_356] {strides = array<i32>} : memref<512x32xf32, #tpu.memory_space<vmem>>, vector<1x16xf32>,
      %get3A_358 = vector.shape_cast %get3A_357 : vector<1x16xf32> to vector<16xf32>
      %mul3A_359 = arith.mulf %get3A_346, %get3A_354 : vector<16xf32>
      %mul3A_360 = arith.mulf %get3A_350, %get3A_358 : vector<16xf32>
      %add3A_361 = arith.addf %mul3A_359, %mul3A_360 : vector<16xf32>
      %add3A_362 = arith.constant 4 : i32
      %add3A_363 = arith.addi %mul3A_278, %add3A_362 : i32
      %get3A_364 = arith.index_cast %add3A_363 : i32 to index
      %get3A_365 = arith.constant 0 : index
      %get3A_366 = tpu.vector_load %arg9[%get3A_364, %get3A_365] {strides = array<i32>} : memref<512x32xf32, #tpu.memory_space<vmem>>, vector<1x16xf32>,
      %get3A_367 = vector.shape_cast %get3A_366 : vector<1x16xf32> to vector<16xf32>
      %get3A_368 = arith.index_cast %add3A_363 : i32 to index
      %get3A_369 = arith.constant 16 : index
      %get3A_370 = tpu.vector_load %arg9[%get3A_368, %get3A_369] {strides = array<i32>} : memref<512x32xf32, #tpu.memory_space<vmem>>, vector<1x16xf32>,
      %get3A_371 = vector.shape_cast %get3A_370 : vector<1x16xf32> to vector<16xf32>
      %get3A_372 = arith.index_cast %add3A_363 : i32 to index
      %get3A_373 = arith.constant 0 : index
      %get3A_374 = tpu.vector_load %arg10[%get3A_372, %get3A_373] {strides = array<i32>} : memref<512x32xf32, #tpu.memory_space<vmem>>, vector<1x16xf32>,
      %get3A_375 = vector.shape_cast %get3A_374 : vector<1x16xf32> to vector<16xf32>
      %get3A_376 = arith.index_cast %add3A_363 : i32 to index
      %get3A_377 = arith.constant 16 : index
      %get3A_378 = tpu.vector_load %arg10[%get3A_376, %get3A_377] {strides = array<i32>} : memref<512x32xf32, #tpu.memory_space<vmem>>, vector<1x16xf32>,
      %get3A_379 = vector.shape_cast %get3A_378 : vector<1x16xf32> to vector<16xf32>
      %mul3A_380 = arith.mulf %get3A_367, %get3A_375 : vector<16xf32>
      %mul3A_381 = arith.mulf %get3A_371, %get3A_379 : vector<16xf32>
      %add3A_382 = arith.addf %mul3A_380, %mul3A_381 : vector<16xf32>
      %add3A_383 = arith.constant 5 : i32
      %add3A_384 = arith.addi %mul3A_278, %add3A_383 : i32
      %get3A_385 = arith.index_cast %add3A_384 : i32 to index
      %get3A_386 = arith.constant 0 : index
      %get3A_387 = tpu.vector_load %arg9[%get3A_385, %get3A_386] {strides = array<i32>} : memref<512x32xf32, #tpu.memory_space<vmem>>, vector<1x16xf32>,
      %get3A_388 = vector.shape_cast %get3A_387 : vector<1x16xf32> to vector<16xf32>
      %get3A_389 = arith.index_cast %add3A_384 : i32 to index
      %get3A_390 = arith.constant 16 : index
      %get3A_391 = tpu.vector_load %arg9[%get3A_389, %get3A_390] {strides = array<i32>} : memref<512x32xf32, #tpu.memory_space<vmem>>, vector<1x16xf32>,
      %get3A_392 = vector.shape_cast %get3A_391 : vector<1x16xf32> to vector<16xf32>
      %get3A_393 = arith.index_cast %add3A_384 : i32 to index
      %get3A_394 = arith.constant 0 : index
      %get3A_395 = tpu.vector_load %arg10[%get3A_393, %get3A_394] {strides = array<i32>} : memref<512x32xf32, #tpu.memory_space<vmem>>, vector<1x16xf32>,
      %get3A_396 = vector.shape_cast %get3A_395 : vector<1x16xf32> to vector<16xf32>
      %get3A_397 = arith.index_cast %add3A_384 : i32 to index
      %get3A_398 = arith.constant 16 : index
      %get3A_399 = tpu.vector_load %arg10[%get3A_397, %get3A_398] {strides = array<i32>} : memref<512x32xf32, #tpu.memory_space<vmem>>, vector<1x16xf32>,
      %get3A_400 = vector.shape_cast %get3A_399 : vector<1x16xf32> to vector<16xf32>
      %mul3A_401 = arith.mulf %get3A_388, %get3A_396 : vector<16xf32>
      %mul3A_402 = arith.mulf %get3A_392, %get3A_400 : vector<16xf32>
      %add3A_403 = arith.addf %mul3A_401, %mul3A_402 : vector<16xf32>
      %add3A_404 = arith.constant 6 : i32
      %add3A_405 = arith.addi %mul3A_278, %add3A_404 : i32
      %get3A_406 = arith.index_cast %add3A_405 : i32 to index
      %get3A_407 = arith.constant 0 : index
      %get3A_408 = tpu.vector_load %arg9[%get3A_406, %get3A_407] {strides = array<i32>} : memref<512x32xf32, #tpu.memory_space<vmem>>, vector<1x16xf32>,
      %get3A_409 = vector.shape_cast %get3A_408 : vector<1x16xf32> to vector<16xf32>
      %get3A_410 = arith.index_cast %add3A_405 : i32 to index
      %get3A_411 = arith.constant 16 : index
      %get3A_412 = tpu.vector_load %arg9[%get3A_410, %get3A_411] {strides = array<i32>} : memref<512x32xf32, #tpu.memory_space<vmem>>, vector<1x16xf32>,
      %get3A_413 = vector.shape_cast %get3A_412 : vector<1x16xf32> to vector<16xf32>
      %get3A_414 = arith.index_cast %add3A_405 : i32 to index
      %get3A_415 = arith.constant 0 : index
      %get3A_416 = tpu.vector_load %arg10[%get3A_414, %get3A_415] {strides = array<i32>} : memref<512x32xf32, #tpu.memory_space<vmem>>, vector<1x16xf32>,
      %get3A_417 = vector.shape_cast %get3A_416 : vector<1x16xf32> to vector<16xf32>
      %get3A_418 = arith.index_cast %add3A_405 : i32 to index
      %get3A_419 = arith.constant 16 : index
      %get3A_420 = tpu.vector_load %arg10[%get3A_418, %get3A_419] {strides = array<i32>} : memref<512x32xf32, #tpu.memory_space<vmem>>, vector<1x16xf32>,
      %get3A_421 = vector.shape_cast %get3A_420 : vector<1x16xf32> to vector<16xf32>
      %mul3A_422 = arith.mulf %get3A_409, %get3A_417 : vector<16xf32>
      %mul3A_423 = arith.mulf %get3A_413, %get3A_421 : vector<16xf32>
      %add3A_424 = arith.addf %mul3A_422, %mul3A_423 : vector<16xf32>
      %add3A_425 = arith.constant 7 : i32
      %add3A_426 = arith.addi %mul3A_278, %add3A_425 : i32
      %get3A_427 = arith.index_cast %add3A_426 : i32 to index
      %get3A_428 = arith.constant 0 : index
      %get3A_429 = tpu.vector_load %arg9[%get3A_427, %get3A_428] {strides = array<i32>} : memref<512x32xf32, #tpu.memory_space<vmem>>, vector<1x16xf32>,
      %get3A_430 = vector.shape_cast %get3A_429 : vector<1x16xf32> to vector<16xf32>
      %get3A_431 = arith.index_cast %add3A_426 : i32 to index
      %get3A_432 = arith.constant 16 : index
      %get3A_433 = tpu.vector_load %arg9[%get3A_431, %get3A_432] {strides = array<i32>} : memref<512x32xf32, #tpu.memory_space<vmem>>, vector<1x16xf32>,
      %get3A_434 = vector.shape_cast %get3A_433 : vector<1x16xf32> to vector<16xf32>
      %get3A_435 = arith.index_cast %add3A_426 : i32 to index
      %get3A_436 = arith.constant 0 : index
      %get3A_437 = tpu.vector_load %arg10[%get3A_435, %get3A_436] {strides = array<i32>} : memref<512x32xf32, #tpu.memory_space<vmem>>, vector<1x16xf32>,
      %get3A_438 = vector.shape_cast %get3A_437 : vector<1x16xf32> to vector<16xf32>
      %get3A_439 = arith.index_cast %add3A_426 : i32 to index
      %get3A_440 = arith.constant 16 : index
      %get3A_441 = tpu.vector_load %arg10[%get3A_439, %get3A_440] {strides = array<i32>} : memref<512x32xf32, #tpu.memory_space<vmem>>, vector<1x16xf32>,
      %get3A_442 = vector.shape_cast %get3A_441 : vector<1x16xf32> to vector<16xf32>
      %mul3A_443 = arith.mulf %get3A_430, %get3A_438 : vector<16xf32>
      %mul3A_444 = arith.mulf %get3A_434, %get3A_442 : vector<16xf32>
      %add3A_445 = arith.addf %mul3A_443, %mul3A_444 : vector<16xf32>
      %add3A_446 = arith.constant 8 : i32
      %add3A_447 = arith.addi %mul3A_278, %add3A_446 : i32
      %get3A_448 = arith.index_cast %add3A_447 : i32 to index
      %get3A_449 = arith.constant 0 : index
      %get3A_450 = tpu.vector_load %arg9[%get3A_448, %get3A_449] {strides = array<i32>} : memref<512x32xf32, #tpu.memory_space<vmem>>, vector<1x16xf32>,
      %get3A_451 = vector.shape_cast %get3A_450 : vector<1x16xf32> to vector<16xf32>
      %get3A_452 = arith.index_cast %add3A_447 : i32 to index
      %get3A_453 = arith.constant 16 : index
      %get3A_454 = tpu.vector_load %arg9[%get3A_452, %get3A_453] {strides = array<i32>} : memref<512x32xf32, #tpu.memory_space<vmem>>, vector<1x16xf32>,
      %get3A_455 = vector.shape_cast %get3A_454 : vector<1x16xf32> to vector<16xf32>
      %get3A_456 = arith.index_cast %add3A_447 : i32 to index
      %get3A_457 = arith.constant 0 : index
      %get3A_458 = tpu.vector_load %arg10[%get3A_456, %get3A_457] {strides = array<i32>} : memref<512x32xf32, #tpu.memory_space<vmem>>, vector<1x16xf32>,
      %get3A_459 = vector.shape_cast %get3A_458 : vector<1x16xf32> to vector<16xf32>
      %get3A_460 = arith.index_cast %add3A_447 : i32 to index
      %get3A_461 = arith.constant 16 : index
      %get3A_462 = tpu.vector_load %arg10[%get3A_460, %get3A_461] {strides = array<i32>} : memref<512x32xf32, #tpu.memory_space<vmem>>, vector<1x16xf32>,
      %get3A_463 = vector.shape_cast %get3A_462 : vector<1x16xf32> to vector<16xf32>
      %mul3A_464 = arith.mulf %get3A_451, %get3A_459 : vector<16xf32>
      %mul3A_465 = arith.mulf %get3A_455, %get3A_463 : vector<16xf32>
      %add3A_466 = arith.addf %mul3A_464, %mul3A_465 : vector<16xf32>
      %add3A_467 = arith.constant 9 : i32
      %add3A_468 = arith.addi %mul3A_278, %add3A_467 : i32
      %get3A_469 = arith.index_cast %add3A_468 : i32 to index
      %get3A_470 = arith.constant 0 : index
      %get3A_471 = tpu.vector_load %arg9[%get3A_469, %get3A_470] {strides = array<i32>} : memref<512x32xf32, #tpu.memory_space<vmem>>, vector<1x16xf32>,
      %get3A_472 = vector.shape_cast %get3A_471 : vector<1x16xf32> to vector<16xf32>
      %get3A_473 = arith.index_cast %add3A_468 : i32 to index
      %get3A_474 = arith.constant 16 : index
      %get3A_475 = tpu.vector_load %arg9[%get3A_473, %get3A_474] {strides = array<i32>} : memref<512x32xf32, #tpu.memory_space<vmem>>, vector<1x16xf32>,
      %get3A_476 = vector.shape_cast %get3A_475 : vector<1x16xf32> to vector<16xf32>
      %get3A_477 = arith.index_cast %add3A_468 : i32 to index
      %get3A_478 = arith.constant 0 : index
      %get3A_479 = tpu.vector_load %arg10[%get3A_477, %get3A_478] {strides = array<i32>} : memref<512x32xf32, #tpu.memory_space<vmem>>, vector<1x16xf32>,
      %get3A_480 = vector.shape_cast %get3A_479 : vector<1x16xf32> to vector<16xf32>
      %get3A_481 = arith.index_cast %add3A_468 : i32 to index
      %get3A_482 = arith.constant 16 : index
      %get3A_483 = tpu.vector_load %arg10[%get3A_481, %get3A_482] {strides = array<i32>} : memref<512x32xf32, #tpu.memory_space<vmem>>, vector<1x16xf32>,
      %get3A_484 = vector.shape_cast %get3A_483 : vector<1x16xf32> to vector<16xf32>
      %mul3A_485 = arith.mulf %get3A_472, %get3A_480 : vector<16xf32>
      %mul3A_486 = arith.mulf %get3A_476, %get3A_484 : vector<16xf32>
      %add3A_487 = arith.addf %mul3A_485, %mul3A_486 : vector<16xf32>
      %add3A_488 = arith.constant 10 : i32
      %add3A_489 = arith.addi %mul3A_278, %add3A_488 : i32
      %get3A_490 = arith.index_cast %add3A_489 : i32 to index
      %get3A_491 = arith.constant 0 : index
      %get3A_492 = tpu.vector_load %arg9[%get3A_490, %get3A_491] {strides = array<i32>} : memref<512x32xf32, #tpu.memory_space<vmem>>, vector<1x16xf32>,
      %get3A_493 = vector.shape_cast %get3A_492 : vector<1x16xf32> to vector<16xf32>
      %get3A_494 = arith.index_cast %add3A_489 : i32 to index
      %get3A_495 = arith.constant 16 : index
      %get3A_496 = tpu.vector_load %arg9[%get3A_494, %get3A_495] {strides = array<i32>} : memref<512x32xf32, #tpu.memory_space<vmem>>, vector<1x16xf32>,
      %get3A_497 = vector.shape_cast %get3A_496 : vector<1x16xf32> to vector<16xf32>
      %get3A_498 = arith.index_cast %add3A_489 : i32 to index
      %get3A_499 = arith.constant 0 : index
      %get3A_500 = tpu.vector_load %arg10[%get3A_498, %get3A_499] {strides = array<i32>} : memref<512x32xf32, #tpu.memory_space<vmem>>, vector<1x16xf32>,
      %get3A_501 = vector.shape_cast %get3A_500 : vector<1x16xf32> to vector<16xf32>
      %get3A_502 = arith.index_cast %add3A_489 : i32 to index
      %get3A_503 = arith.constant 16 : index
      %get3A_504 = tpu.vector_load %arg10[%get3A_502, %get3A_503] {strides = array<i32>} : memref<512x32xf32, #tpu.memory_space<vmem>>, vector<1x16xf32>,
      %get3A_505 = vector.shape_cast %get3A_504 : vector<1x16xf32> to vector<16xf32>
      %mul3A_506 = arith.mulf %get3A_493, %get3A_501 : vector<16xf32>
      %mul3A_507 = arith.mulf %get3A_497, %get3A_505 : vector<16xf32>
      %add3A_508 = arith.addf %mul3A_506, %mul3A_507 : vector<16xf32>
      %add3A_509 = arith.constant 11 : i32
      %add3A_510 = arith.addi %mul3A_278, %add3A_509 : i32
      %get3A_511 = arith.index_cast %add3A_510 : i32 to index
      %get3A_512 = arith.constant 0 : index
      %get3A_513 = tpu.vector_load %arg9[%get3A_511, %get3A_512] {strides = array<i32>} : memref<512x32xf32, #tpu.memory_space<vmem>>, vector<1x16xf32>,
      %get3A_514 = vector.shape_cast %get3A_513 : vector<1x16xf32> to vector<16xf32>
      %get3A_515 = arith.index_cast %add3A_510 : i32 to index
      %get3A_516 = arith.constant 16 : index
      %get3A_517 = tpu.vector_load %arg9[%get3A_515, %get3A_516] {strides = array<i32>} : memref<512x32xf32, #tpu.memory_space<vmem>>, vector<1x16xf32>,
      %get3A_518 = vector.shape_cast %get3A_517 : vector<1x16xf32> to vector<16xf32>
      %get3A_519 = arith.index_cast %add3A_510 : i32 to index
      %get3A_520 = arith.constant 0 : index
      %get3A_521 = tpu.vector_load %arg10[%get3A_519, %get3A_520] {strides = array<i32>} : memref<512x32xf32, #tpu.memory_space<vmem>>, vector<1x16xf32>,
      %get3A_522 = vector.shape_cast %get3A_521 : vector<1x16xf32> to vector<16xf32>
      %get3A_523 = arith.index_cast %add3A_510 : i32 to index
      %get3A_524 = arith.constant 16 : index
      %get3A_525 = tpu.vector_load %arg10[%get3A_523, %get3A_524] {strides = array<i32>} : memref<512x32xf32, #tpu.memory_space<vmem>>, vector<1x16xf32>,
      %get3A_526 = vector.shape_cast %get3A_525 : vector<1x16xf32> to vector<16xf32>
      %mul3A_527 = arith.mulf %get3A_514, %get3A_522 : vector<16xf32>
      %mul3A_528 = arith.mulf %get3A_518, %get3A_526 : vector<16xf32>
      %add3A_529 = arith.addf %mul3A_527, %mul3A_528 : vector<16xf32>
      %add3A_530 = arith.constant 12 : i32
      %add3A_531 = arith.addi %mul3A_278, %add3A_530 : i32
      %get3A_532 = arith.index_cast %add3A_531 : i32 to index
      %get3A_533 = arith.constant 0 : index
      %get3A_534 = tpu.vector_load %arg9[%get3A_532, %get3A_533] {strides = array<i32>} : memref<512x32xf32, #tpu.memory_space<vmem>>, vector<1x16xf32>,
      %get3A_535 = vector.shape_cast %get3A_534 : vector<1x16xf32> to vector<16xf32>
      %get3A_536 = arith.index_cast %add3A_531 : i32 to index
      %get3A_537 = arith.constant 16 : index
      %get3A_538 = tpu.vector_load %arg9[%get3A_536, %get3A_537] {strides = array<i32>} : memref<512x32xf32, #tpu.memory_space<vmem>>, vector<1x16xf32>,
      %get3A_539 = vector.shape_cast %get3A_538 : vector<1x16xf32> to vector<16xf32>
      %get3A_540 = arith.index_cast %add3A_531 : i32 to index
      %get3A_541 = arith.constant 0 : index
      %get3A_542 = tpu.vector_load %arg10[%get3A_540, %get3A_541] {strides = array<i32>} : memref<512x32xf32, #tpu.memory_space<vmem>>, vector<1x16xf32>,
      %get3A_543 = vector.shape_cast %get3A_542 : vector<1x16xf32> to vector<16xf32>
      %get3A_544 = arith.index_cast %add3A_531 : i32 to index
      %get3A_545 = arith.constant 16 : index
      %get3A_546 = tpu.vector_load %arg10[%get3A_544, %get3A_545] {strides = array<i32>} : memref<512x32xf32, #tpu.memory_space<vmem>>, vector<1x16xf32>,
      %get3A_547 = vector.shape_cast %get3A_546 : vector<1x16xf32> to vector<16xf32>
      %mul3A_548 = arith.mulf %get3A_535, %get3A_543 : vector<16xf32>
      %mul3A_549 = arith.mulf %get3A_539, %get3A_547 : vector<16xf32>
      %add3A_550 = arith.addf %mul3A_548, %mul3A_549 : vector<16xf32>
      %add3A_551 = arith.constant 13 : i32
      %add3A_552 = arith.addi %mul3A_278, %add3A_551 : i32
      %get3A_553 = arith.index_cast %add3A_552 : i32 to index
      %get3A_554 = arith.constant 0 : index
      %get3A_555 = tpu.vector_load %arg9[%get3A_553, %get3A_554] {strides = array<i32>} : memref<512x32xf32, #tpu.memory_space<vmem>>, vector<1x16xf32>,
      %get3A_556 = vector.shape_cast %get3A_555 : vector<1x16xf32> to vector<16xf32>
      %get3A_557 = arith.index_cast %add3A_552 : i32 to index
      %get3A_558 = arith.constant 16 : index
      %get3A_559 = tpu.vector_load %arg9[%get3A_557, %get3A_558] {strides = array<i32>} : memref<512x32xf32, #tpu.memory_space<vmem>>, vector<1x16xf32>,
      %get3A_560 = vector.shape_cast %get3A_559 : vector<1x16xf32> to vector<16xf32>
      %get3A_561 = arith.index_cast %add3A_552 : i32 to index
      %get3A_562 = arith.constant 0 : index
      %get3A_563 = tpu.vector_load %arg10[%get3A_561, %get3A_562] {strides = array<i32>} : memref<512x32xf32, #tpu.memory_space<vmem>>, vector<1x16xf32>,
      %get3A_564 = vector.shape_cast %get3A_563 : vector<1x16xf32> to vector<16xf32>
      %get3A_565 = arith.index_cast %add3A_552 : i32 to index
      %get3A_566 = arith.constant 16 : index
      %get3A_567 = tpu.vector_load %arg10[%get3A_565, %get3A_566] {strides = array<i32>} : memref<512x32xf32, #tpu.memory_space<vmem>>, vector<1x16xf32>,
      %get3A_568 = vector.shape_cast %get3A_567 : vector<1x16xf32> to vector<16xf32>
      %mul3A_569 = arith.mulf %get3A_556, %get3A_564 : vector<16xf32>
      %mul3A_570 = arith.mulf %get3A_560, %get3A_568 : vector<16xf32>
      %add3A_571 = arith.addf %mul3A_569, %mul3A_570 : vector<16xf32>
      %add3A_572 = arith.constant 14 : i32
      %add3A_573 = arith.addi %mul3A_278, %add3A_572 : i32
      %get3A_574 = arith.index_cast %add3A_573 : i32 to index
      %get3A_575 = arith.constant 0 : index
      %get3A_576 = tpu.vector_load %arg9[%get3A_574, %get3A_575] {strides = array<i32>} : memref<512x32xf32, #tpu.memory_space<vmem>>, vector<1x16xf32>,
      %get3A_577 = vector.shape_cast %get3A_576 : vector<1x16xf32> to vector<16xf32>
      %get3A_578 = arith.index_cast %add3A_573 : i32 to index
      %get3A_579 = arith.constant 16 : index
      %get3A_580 = tpu.vector_load %arg9[%get3A_578, %get3A_579] {strides = array<i32>} : memref<512x32xf32, #tpu.memory_space<vmem>>, vector<1x16xf32>,
      %get3A_581 = vector.shape_cast %get3A_580 : vector<1x16xf32> to vector<16xf32>
      %get3A_582 = arith.index_cast %add3A_573 : i32 to index
      %get3A_583 = arith.constant 0 : index
      %get3A_584 = tpu.vector_load %arg10[%get3A_582, %get3A_583] {strides = array<i32>} : memref<512x32xf32, #tpu.memory_space<vmem>>, vector<1x16xf32>,
      %get3A_585 = vector.shape_cast %get3A_584 : vector<1x16xf32> to vector<16xf32>
      %get3A_586 = arith.index_cast %add3A_573 : i32 to index
      %get3A_587 = arith.constant 16 : index
      %get3A_588 = tpu.vector_load %arg10[%get3A_586, %get3A_587] {strides = array<i32>} : memref<512x32xf32, #tpu.memory_space<vmem>>, vector<1x16xf32>,
      %get3A_589 = vector.shape_cast %get3A_588 : vector<1x16xf32> to vector<16xf32>
      %mul3A_590 = arith.mulf %get3A_577, %get3A_585 : vector<16xf32>
      %mul3A_591 = arith.mulf %get3A_581, %get3A_589 : vector<16xf32>
      %add3A_592 = arith.addf %mul3A_590, %mul3A_591 : vector<16xf32>
      %add3A_593 = arith.constant 15 : i32
      %add3A_594 = arith.addi %mul3A_278, %add3A_593 : i32
      %get3A_595 = arith.index_cast %add3A_594 : i32 to index
      %get3A_596 = arith.constant 0 : index
      %get3A_597 = tpu.vector_load %arg9[%get3A_595, %get3A_596] {strides = array<i32>} : memref<512x32xf32, #tpu.memory_space<vmem>>, vector<1x16xf32>,
      %get3A_598 = vector.shape_cast %get3A_597 : vector<1x16xf32> to vector<16xf32>
      %get3A_599 = arith.index_cast %add3A_594 : i32 to index
      %get3A_600 = arith.constant 16 : index
      %get3A_601 = tpu.vector_load %arg9[%get3A_599, %get3A_600] {strides = array<i32>} : memref<512x32xf32, #tpu.memory_space<vmem>>, vector<1x16xf32>,
      %get3A_602 = vector.shape_cast %get3A_601 : vector<1x16xf32> to vector<16xf32>
      %get3A_603 = arith.index_cast %add3A_594 : i32 to index
      %get3A_604 = arith.constant 0 : index
      %get3A_605 = tpu.vector_load %arg10[%get3A_603, %get3A_604] {strides = array<i32>} : memref<512x32xf32, #tpu.memory_space<vmem>>, vector<1x16xf32>,
      %get3A_606 = vector.shape_cast %get3A_605 : vector<1x16xf32> to vector<16xf32>
      %get3A_607 = arith.index_cast %add3A_594 : i32 to index
      %get3A_608 = arith.constant 16 : index
      %get3A_609 = tpu.vector_load %arg10[%get3A_607, %get3A_608] {strides = array<i32>} : memref<512x32xf32, #tpu.memory_space<vmem>>, vector<1x16xf32>,
      %get3A_610 = vector.shape_cast %get3A_609 : vector<1x16xf32> to vector<16xf32>
      %mul3A_611 = arith.mulf %get3A_598, %get3A_606 : vector<16xf32>
      %mul3A_612 = arith.mulf %get3A_602, %get3A_610 : vector<16xf32>
      %add3A_613 = arith.addf %mul3A_611, %mul3A_612 : vector<16xf32>
      %broadcast_in_dim3A = vector.shape_cast %and3A_206 : vector<16xi32> to vector<16x1xi32>
      %gather3A = vector.shape_cast %broadcast_in_dim3A : vector<16x1xi32> to vector<16xi32>
      %gather3A_614 = tpu.dynamic_gather %add3A_298[%gather3A] in [0] : vector<16xf32>, vector<16xi32> -> vector<16xf32>
      %add3A_615 = arith.addf %add3A_298, %gather3A_614 : vector<16xf32>
      %broadcast_in_dim3A_616 = vector.shape_cast %and3A_206 : vector<16xi32> to vector<16x1xi32>
      %gather3A_617 = vector.shape_cast %broadcast_in_dim3A_616 : vector<16x1xi32> to vector<16xi32>
      %gather3A_618 = tpu.dynamic_gather %add3A_319[%gather3A_617] in [0] : vector<16xf32>, vector<16xi32> -> vector<16xf32>
      %add3A_619 = arith.addf %add3A_319, %gather3A_618 : vector<16xf32>
      %select_n3A = arith.select %eq3A_247, %add3A_615, %add3A_619 : vector<16xi1>, vector<16xf32>
      %broadcast_in_dim3A_620 = vector.shape_cast %and3A_206 : vector<16xi32> to vector<16x1xi32>
      %gather3A_621 = vector.shape_cast %broadcast_in_dim3A_620 : vector<16x1xi32> to vector<16xi32>
      %gather3A_622 = tpu.dynamic_gather %add3A_340[%gather3A_621] in [0] : vector<16xf32>, vector<16xi32> -> vector<16xf32>
      %add3A_623 = arith.addf %add3A_340, %gather3A_622 : vector<16xf32>
      %broadcast_in_dim3A_624 = vector.shape_cast %and3A_206 : vector<16xi32> to vector<16x1xi32>
      %gather3A_625 = vector.shape_cast %broadcast_in_dim3A_624 : vector<16x1xi32> to vector<16xi32>
      %gather3A_626 = tpu.dynamic_gather %add3A_361[%gather3A_625] in [0] : vector<16xf32>, vector<16xi32> -> vector<16xf32>
      %add3A_627 = arith.addf %add3A_361, %gather3A_626 : vector<16xf32>
      %select_n3A_628 = arith.select %eq3A_247, %add3A_623, %add3A_627 : vector<16xi1>, vector<16xf32>
      %broadcast_in_dim3A_629 = vector.shape_cast %and3A_206 : vector<16xi32> to vector<16x1xi32>
      %gather3A_630 = vector.shape_cast %broadcast_in_dim3A_629 : vector<16x1xi32> to vector<16xi32>
      %gather3A_631 = tpu.dynamic_gather %add3A_382[%gather3A_630] in [0] : vector<16xf32>, vector<16xi32> -> vector<16xf32>
      %add3A_632 = arith.addf %add3A_382, %gather3A_631 : vector<16xf32>
      %broadcast_in_dim3A_633 = vector.shape_cast %and3A_206 : vector<16xi32> to vector<16x1xi32>
      %gather3A_634 = vector.shape_cast %broadcast_in_dim3A_633 : vector<16x1xi32> to vector<16xi32>
      %gather3A_635 = tpu.dynamic_gather %add3A_403[%gather3A_634] in [0] : vector<16xf32>, vector<16xi32> -> vector<16xf32>
      %add3A_636 = arith.addf %add3A_403, %gather3A_635 : vector<16xf32>
      %select_n3A_637 = arith.select %eq3A_247, %add3A_632, %add3A_636 : vector<16xi1>, vector<16xf32>
      %broadcast_in_dim3A_638 = vector.shape_cast %and3A_206 : vector<16xi32> to vector<16x1xi32>
      %gather3A_639 = vector.shape_cast %broadcast_in_dim3A_638 : vector<16x1xi32> to vector<16xi32>
      %gather3A_640 = tpu.dynamic_gather %add3A_424[%gather3A_639] in [0] : vector<16xf32>, vector<16xi32> -> vector<16xf32>
      %add3A_641 = arith.addf %add3A_424, %gather3A_640 : vector<16xf32>
      %broadcast_in_dim3A_642 = vector.shape_cast %and3A_206 : vector<16xi32> to vector<16x1xi32>
      %gather3A_643 = vector.shape_cast %broadcast_in_dim3A_642 : vector<16x1xi32> to vector<16xi32>
      %gather3A_644 = tpu.dynamic_gather %add3A_445[%gather3A_643] in [0] : vector<16xf32>, vector<16xi32> -> vector<16xf32>
      %add3A_645 = arith.addf %add3A_445, %gather3A_644 : vector<16xf32>
      %select_n3A_646 = arith.select %eq3A_247, %add3A_641, %add3A_645 : vector<16xi1>, vector<16xf32>
      %broadcast_in_dim3A_647 = vector.shape_cast %and3A_206 : vector<16xi32> to vector<16x1xi32>
      %gather3A_648 = vector.shape_cast %broadcast_in_dim3A_647 : vector<16x1xi32> to vector<16xi32>
      %gather3A_649 = tpu.dynamic_gather %add3A_466[%gather3A_648] in [0] : vector<16xf32>, vector<16xi32> -> vector<16xf32>
      %add3A_650 = arith.addf %add3A_466, %gather3A_649 : vector<16xf32>
      %broadcast_in_dim3A_651 = vector.shape_cast %and3A_206 : vector<16xi32> to vector<16x1xi32>
      %gather3A_652 = vector.shape_cast %broadcast_in_dim3A_651 : vector<16x1xi32> to vector<16xi32>
      %gather3A_653 = tpu.dynamic_gather %add3A_487[%gather3A_652] in [0] : vector<16xf32>, vector<16xi32> -> vector<16xf32>
      %add3A_654 = arith.addf %add3A_487, %gather3A_653 : vector<16xf32>
      %select_n3A_655 = arith.select %eq3A_247, %add3A_650, %add3A_654 : vector<16xi1>, vector<16xf32>
      %broadcast_in_dim3A_656 = vector.shape_cast %and3A_206 : vector<16xi32> to vector<16x1xi32>
      %gather3A_657 = vector.shape_cast %broadcast_in_dim3A_656 : vector<16x1xi32> to vector<16xi32>
      %gather3A_658 = tpu.dynamic_gather %add3A_508[%gather3A_657] in [0] : vector<16xf32>, vector<16xi32> -> vector<16xf32>
      %add3A_659 = arith.addf %add3A_508, %gather3A_658 : vector<16xf32>
      %broadcast_in_dim3A_660 = vector.shape_cast %and3A_206 : vector<16xi32> to vector<16x1xi32>
      %gather3A_661 = vector.shape_cast %broadcast_in_dim3A_660 : vector<16x1xi32> to vector<16xi32>
      %gather3A_662 = tpu.dynamic_gather %add3A_529[%gather3A_661] in [0] : vector<16xf32>, vector<16xi32> -> vector<16xf32>
      %add3A_663 = arith.addf %add3A_529, %gather3A_662 : vector<16xf32>
      %select_n3A_664 = arith.select %eq3A_247, %add3A_659, %add3A_663 : vector<16xi1>, vector<16xf32>
      %broadcast_in_dim3A_665 = vector.shape_cast %and3A_206 : vector<16xi32> to vector<16x1xi32>
      %gather3A_666 = vector.shape_cast %broadcast_in_dim3A_665 : vector<16x1xi32> to vector<16xi32>
      %gather3A_667 = tpu.dynamic_gather %add3A_550[%gather3A_666] in [0] : vector<16xf32>, vector<16xi32> -> vector<16xf32>
      %add3A_668 = arith.addf %add3A_550, %gather3A_667 : vector<16xf32>
      %broadcast_in_dim3A_669 = vector.shape_cast %and3A_206 : vector<16xi32> to vector<16x1xi32>
      %gather3A_670 = vector.shape_cast %broadcast_in_dim3A_669 : vector<16x1xi32> to vector<16xi32>
      %gather3A_671 = tpu.dynamic_gather %add3A_571[%gather3A_670] in [0] : vector<16xf32>, vector<16xi32> -> vector<16xf32>
      %add3A_672 = arith.addf %add3A_571, %gather3A_671 : vector<16xf32>
      %select_n3A_673 = arith.select %eq3A_247, %add3A_668, %add3A_672 : vector<16xi1>, vector<16xf32>
      %broadcast_in_dim3A_674 = vector.shape_cast %and3A_206 : vector<16xi32> to vector<16x1xi32>
      %gather3A_675 = vector.shape_cast %broadcast_in_dim3A_674 : vector<16x1xi32> to vector<16xi32>
      %gather3A_676 = tpu.dynamic_gather %add3A_592[%gather3A_675] in [0] : vector<16xf32>, vector<16xi32> -> vector<16xf32>
      %add3A_677 = arith.addf %add3A_592, %gather3A_676 : vector<16xf32>
      %broadcast_in_dim3A_678 = vector.shape_cast %and3A_206 : vector<16xi32> to vector<16x1xi32>
      %gather3A_679 = vector.shape_cast %broadcast_in_dim3A_678 : vector<16x1xi32> to vector<16xi32>
      %gather3A_680 = tpu.dynamic_gather %add3A_613[%gather3A_679] in [0] : vector<16xf32>, vector<16xi32> -> vector<16xf32>
      %add3A_681 = arith.addf %add3A_613, %gather3A_680 : vector<16xf32>
      %select_n3A_682 = arith.select %eq3A_247, %add3A_677, %add3A_681 : vector<16xi1>, vector<16xf32>
      %broadcast_in_dim3A_683 = vector.shape_cast %and3A_200 : vector<16xi32> to vector<16x1xi32>
      %gather3A_684 = vector.shape_cast %broadcast_in_dim3A_683 : vector<16x1xi32> to vector<16xi32>
      %gather3A_685 = tpu.dynamic_gather %select_n3A[%gather3A_684] in [0] : vector<16xf32>, vector<16xi32> -> vector<16xf32>
      %add3A_686 = arith.addf %select_n3A, %gather3A_685 : vector<16xf32>
      %broadcast_in_dim3A_687 = vector.shape_cast %and3A_200 : vector<16xi32> to vector<16x1xi32>
      %gather3A_688 = vector.shape_cast %broadcast_in_dim3A_687 : vector<16x1xi32> to vector<16xi32>
      %gather3A_689 = tpu.dynamic_gather %select_n3A_628[%gather3A_688] in [0] : vector<16xf32>, vector<16xi32> -> vector<16xf32>
      %add3A_690 = arith.addf %select_n3A_628, %gather3A_689 : vector<16xf32>
      %broadcast_in_dim3A_691 = vector.shape_cast %and3A_224 : vector<16xi32> to vector<16x1xi32>
      %gather3A_692 = vector.shape_cast %broadcast_in_dim3A_691 : vector<16x1xi32> to vector<16xi32>
      %gather3A_693 = tpu.dynamic_gather %add3A_690[%gather3A_692] in [0] : vector<16xf32>, vector<16xi32> -> vector<16xf32>
      %select_n3A_694 = arith.select %eq3A_241, %add3A_686, %gather3A_693 : vector<16xi1>, vector<16xf32>
      %broadcast_in_dim3A_695 = vector.shape_cast %and3A_200 : vector<16xi32> to vector<16x1xi32>
      %gather3A_696 = vector.shape_cast %broadcast_in_dim3A_695 : vector<16x1xi32> to vector<16xi32>
      %gather3A_697 = tpu.dynamic_gather %select_n3A_637[%gather3A_696] in [0] : vector<16xf32>, vector<16xi32> -> vector<16xf32>
      %add3A_698 = arith.addf %select_n3A_637, %gather3A_697 : vector<16xf32>
      %broadcast_in_dim3A_699 = vector.shape_cast %and3A_200 : vector<16xi32> to vector<16x1xi32>
      %gather3A_700 = vector.shape_cast %broadcast_in_dim3A_699 : vector<16x1xi32> to vector<16xi32>
      %gather3A_701 = tpu.dynamic_gather %select_n3A_646[%gather3A_700] in [0] : vector<16xf32>, vector<16xi32> -> vector<16xf32>
      %add3A_702 = arith.addf %select_n3A_646, %gather3A_701 : vector<16xf32>
      %broadcast_in_dim3A_703 = vector.shape_cast %and3A_224 : vector<16xi32> to vector<16x1xi32>
      %gather3A_704 = vector.shape_cast %broadcast_in_dim3A_703 : vector<16x1xi32> to vector<16xi32>
      %gather3A_705 = tpu.dynamic_gather %add3A_702[%gather3A_704] in [0] : vector<16xf32>, vector<16xi32> -> vector<16xf32>
      %select_n3A_706 = arith.select %eq3A_241, %add3A_698, %gather3A_705 : vector<16xi1>, vector<16xf32>
      %broadcast_in_dim3A_707 = vector.shape_cast %and3A_200 : vector<16xi32> to vector<16x1xi32>
      %gather3A_708 = vector.shape_cast %broadcast_in_dim3A_707 : vector<16x1xi32> to vector<16xi32>
      %gather3A_709 = tpu.dynamic_gather %select_n3A_655[%gather3A_708] in [0] : vector<16xf32>, vector<16xi32> -> vector<16xf32>
      %add3A_710 = arith.addf %select_n3A_655, %gather3A_709 : vector<16xf32>
      %broadcast_in_dim3A_711 = vector.shape_cast %and3A_200 : vector<16xi32> to vector<16x1xi32>
      %gather3A_712 = vector.shape_cast %broadcast_in_dim3A_711 : vector<16x1xi32> to vector<16xi32>
      %gather3A_713 = tpu.dynamic_gather %select_n3A_664[%gather3A_712] in [0] : vector<16xf32>, vector<16xi32> -> vector<16xf32>
      %add3A_714 = arith.addf %select_n3A_664, %gather3A_713 : vector<16xf32>
      %broadcast_in_dim3A_715 = vector.shape_cast %and3A_224 : vector<16xi32> to vector<16x1xi32>
      %gather3A_716 = vector.shape_cast %broadcast_in_dim3A_715 : vector<16x1xi32> to vector<16xi32>
      %gather3A_717 = tpu.dynamic_gather %add3A_714[%gather3A_716] in [0] : vector<16xf32>, vector<16xi32> -> vector<16xf32>
      %select_n3A_718 = arith.select %eq3A_241, %add3A_710, %gather3A_717 : vector<16xi1>, vector<16xf32>
      %broadcast_in_dim3A_719 = vector.shape_cast %and3A_200 : vector<16xi32> to vector<16x1xi32>
      %gather3A_720 = vector.shape_cast %broadcast_in_dim3A_719 : vector<16x1xi32> to vector<16xi32>
      %gather3A_721 = tpu.dynamic_gather %select_n3A_673[%gather3A_720] in [0] : vector<16xf32>, vector<16xi32> -> vector<16xf32>
      %add3A_722 = arith.addf %select_n3A_673, %gather3A_721 : vector<16xf32>
      %broadcast_in_dim3A_723 = vector.shape_cast %and3A_200 : vector<16xi32> to vector<16x1xi32>
      %gather3A_724 = vector.shape_cast %broadcast_in_dim3A_723 : vector<16x1xi32> to vector<16xi32>
      %gather3A_725 = tpu.dynamic_gather %select_n3A_682[%gather3A_724] in [0] : vector<16xf32>, vector<16xi32> -> vector<16xf32>
      %add3A_726 = arith.addf %select_n3A_682, %gather3A_725 : vector<16xf32>
      %broadcast_in_dim3A_727 = vector.shape_cast %and3A_224 : vector<16xi32> to vector<16x1xi32>
      %gather3A_728 = vector.shape_cast %broadcast_in_dim3A_727 : vector<16x1xi32> to vector<16xi32>
      %gather3A_729 = tpu.dynamic_gather %add3A_726[%gather3A_728] in [0] : vector<16xf32>, vector<16xi32> -> vector<16xf32>
      %select_n3A_730 = arith.select %eq3A_241, %add3A_722, %gather3A_729 : vector<16xi1>, vector<16xf32>
      %broadcast_in_dim3A_731 = vector.shape_cast %and3A_194 : vector<16xi32> to vector<16x1xi32>
      %gather3A_732 = vector.shape_cast %broadcast_in_dim3A_731 : vector<16x1xi32> to vector<16xi32>
      %gather3A_733 = tpu.dynamic_gather %select_n3A_694[%gather3A_732] in [0] : vector<16xf32>, vector<16xi32> -> vector<16xf32>
      %add3A_734 = arith.addf %select_n3A_694, %gather3A_733 : vector<16xf32>
      %broadcast_in_dim3A_735 = vector.shape_cast %and3A_194 : vector<16xi32> to vector<16x1xi32>
      %gather3A_736 = vector.shape_cast %broadcast_in_dim3A_735 : vector<16x1xi32> to vector<16xi32>
      %gather3A_737 = tpu.dynamic_gather %select_n3A_706[%gather3A_736] in [0] : vector<16xf32>, vector<16xi32> -> vector<16xf32>
      %add3A_738 = arith.addf %select_n3A_706, %gather3A_737 : vector<16xf32>
      %broadcast_in_dim3A_739 = vector.shape_cast %and3A_218 : vector<16xi32> to vector<16x1xi32>
      %gather3A_740 = vector.shape_cast %broadcast_in_dim3A_739 : vector<16x1xi32> to vector<16xi32>
      %gather3A_741 = tpu.dynamic_gather %add3A_738[%gather3A_740] in [0] : vector<16xf32>, vector<16xi32> -> vector<16xf32>
      %select_n3A_742 = arith.select %eq3A_235, %add3A_734, %gather3A_741 : vector<16xi1>, vector<16xf32>
      %broadcast_in_dim3A_743 = vector.shape_cast %and3A_194 : vector<16xi32> to vector<16x1xi32>
      %gather3A_744 = vector.shape_cast %broadcast_in_dim3A_743 : vector<16x1xi32> to vector<16xi32>
      %gather3A_745 = tpu.dynamic_gather %select_n3A_718[%gather3A_744] in [0] : vector<16xf32>, vector<16xi32> -> vector<16xf32>
      %add3A_746 = arith.addf %select_n3A_718, %gather3A_745 : vector<16xf32>
      %broadcast_in_dim3A_747 = vector.shape_cast %and3A_194 : vector<16xi32> to vector<16x1xi32>
      %gather3A_748 = vector.shape_cast %broadcast_in_dim3A_747 : vector<16x1xi32> to vector<16xi32>
      %gather3A_749 = tpu.dynamic_gather %select_n3A_730[%gather3A_748] in [0] : vector<16xf32>, vector<16xi32> -> vector<16xf32>
      %add3A_750 = arith.addf %select_n3A_730, %gather3A_749 : vector<16xf32>
      %broadcast_in_dim3A_751 = vector.shape_cast %and3A_218 : vector<16xi32> to vector<16x1xi32>
      %gather3A_752 = vector.shape_cast %broadcast_in_dim3A_751 : vector<16x1xi32> to vector<16xi32>
      %gather3A_753 = tpu.dynamic_gather %add3A_750[%gather3A_752] in [0] : vector<16xf32>, vector<16xi32> -> vector<16xf32>
      %select_n3A_754 = arith.select %eq3A_235, %add3A_746, %gather3A_753 : vector<16xi1>, vector<16xf32>
      %broadcast_in_dim3A_755 = vector.shape_cast %and3A_188 : vector<16xi32> to vector<16x1xi32>
      %gather3A_756 = vector.shape_cast %broadcast_in_dim3A_755 : vector<16x1xi32> to vector<16xi32>
      %gather3A_757 = tpu.dynamic_gather %select_n3A_742[%gather3A_756] in [0] : vector<16xf32>, vector<16xi32> -> vector<16xf32>
      %add3A_758 = arith.addf %select_n3A_742, %gather3A_757 : vector<16xf32>
      %broadcast_in_dim3A_759 = vector.shape_cast %and3A_188 : vector<16xi32> to vector<16x1xi32>
      %gather3A_760 = vector.shape_cast %broadcast_in_dim3A_759 : vector<16x1xi32> to vector<16xi32>
      %gather3A_761 = tpu.dynamic_gather %select_n3A_754[%gather3A_760] in [0] : vector<16xf32>, vector<16xi32> -> vector<16xf32>
      %add3A_762 = arith.addf %select_n3A_754, %gather3A_761 : vector<16xf32>
      %broadcast_in_dim3A_763 = vector.shape_cast %and3A_212 : vector<16xi32> to vector<16x1xi32>
      %gather3A_764 = vector.shape_cast %broadcast_in_dim3A_763 : vector<16x1xi32> to vector<16xi32>
      %gather3A_765 = tpu.dynamic_gather %add3A_762[%gather3A_764] in [0] : vector<16xf32>, vector<16xi32> -> vector<16xf32>
      %select_n3A_766 = arith.select %eq3A_229, %add3A_758, %gather3A_765 : vector<16xi1>, vector<16xf32>
      %broadcast_in_dim3A_767 = vector.shape_cast %or3A_271 : vector<16xi32> to vector<16x1xi32>
      %gather3A_768 = vector.shape_cast %broadcast_in_dim3A_767 : vector<16x1xi32> to vector<16xi32>
      %gather3A_769 = tpu.dynamic_gather %select_n3A_766[%gather3A_768] in [0] : vector<16xf32>, vector<16xi32> -> vector<16xf32>
      %swap3A = arith.index_cast %mul3A_278 : i32 to index
      %swap3A_770 = tpu.vector_load %arg11[%swap3A] {strides = array<i32>} : memref<512xf32, #tpu.memory_space<vmem>>, vector<16xf32>,
      %swap3A_771 = vector.shape_cast %swap3A_770 : vector<16xf32> to vector<16xf32>
      %swap3A_772 = vector.shape_cast %gather3A_769 : vector<16xf32> to vector<16xf32>
      tpu.vector_store %arg11[%swap3A], %swap3A_772 {strides = array<i32>} : memref<512xf32, #tpu.memory_space<vmem>>, vector<16xf32>,
    }
    %scan3A_275 = arith.constant 32 : i32
    "tpu.region"() ({
      %run_scoped3A_276 = tpu.sem_alloc : memref<!tpu.dma_semaphore, #tpu.memory_space<semaphore_mem>>
      %dma_start3A_277 = tpu.memref_slice %arg6[%mul3A_2] : memref<16384xf32, #tpu.memory_space<hbm>> -> memref<512xf32, #tpu.memory_space<hbm>>
      %dma_start3A_278 = tpu.memref_slice %arg6[%mul3A_2] : memref<16384xf32, #tpu.memory_space<hbm>> -> memref<512xf32, #tpu.memory_space<hbm>>
      tpu.enqueue_dma source(%arg11 : memref<512xf32, #tpu.memory_space<vmem>>) target(%dma_start3A_278 : memref<512xf32, #tpu.memory_space<hbm>>) target_semaphore(%run_scoped3A_276 : memref<!tpu.dma_semaphore, #tpu.memory_space<semaphore_mem>>)
      %dma_wait3A_279 = tpu.memref_slice %arg6[%mul3A_2] : memref<16384xf32, #tpu.memory_space<hbm>> -> memref<512xf32, #tpu.memory_space<hbm>>
      %dma_wait3A_280 = tpu.memref_slice %arg6[%mul3A_2] : memref<16384xf32, #tpu.memory_space<hbm>> -> memref<512xf32, #tpu.memory_space<hbm>>
      tpu.wait_dma2 semaphore(%run_scoped3A_276 : memref<!tpu.dma_semaphore, #tpu.memory_space<semaphore_mem>>) src(%arg11 : memref<512xf32, #tpu.memory_space<vmem>>) dst(%dma_wait3A_280 : memref<512xf32, #tpu.memory_space<hbm>>)
      tpu.yield
    }) : () -> ()
    return
  }
}

</mosaic_0001>

<sc_bundles>
// kernel: kernel.3.cloned.1.call-start
scs
__scs_entry_jumppad:
0x0: {  	(pc) =	sbr.rel $0x88, $3  }
0x1: {  	(tag) =	ssettag $0x0;
	lr =	simm.s32 $0x1  }
0x2: {  	[smem:$0x3F9D] =	sst lr;
	_ =	strace $0xD0000000  }
0x3: {  	_ = 	snop  }
0x4: {  	_ = 	snop  }
0x5: {  	_ = 	snop  }
0x6: {  	_ = 	snop  }
0x7: {  	_ = 	snop  }
__scs_overlays_trampoline_lowered:
0x8: {  	[smem:$0x3FAC] =	sst s0  }
0x9: {  	[smem:$0x3FAD] =	sst s1  }
0xa: {  	[smem:$0x3FAE] =	sst s2  }
0xb: {  	[smem:$0x3FAF] =	sst s3  }
0xc: {  	[smem:$0x3FB0] =	sst s4  }
0xd: {  	[smem:$0x3FB1] =	sst s5  }
0xe: {  	[smem:$0x3FB2] =	sst s6  }
0xf: {  	[smem:$0x3FB3] =	sst s7  }
0x10: {  	[smem:$0x3FB4] =	sst s8  }
0x11: {  	[smem:$0x3FB5] =	sst s9;
	s0 =	simm.s32 @!p0 $0x0  }
0x12: {  	s1 =	sld [smem:$0x3F9B];
	s0 =	simm.s32 @p0 $0x1  }
0x13: {  	[smem:$0x3FB6] =	sst s0;
	s0 =	simm.s32 @!p1 $0x0  }
0x14: {  	s2 =	sld [smem:$0x3F9A];
	s0 =	simm.s32 @p1 $0x1  }
0x15: {  	[smem:$0x3FB7] =	sst s0;
	s0 =	simm.s32 @!p2 $0x0  }
0x16: {  	s3 =	sld [smem:$0x3FDB];
	s0 =	simm.s32 @p2 $0x1  }
0x17: {  	s4 =	simm.s32 $0x1BF5;
	[smem:$0x3FB9] =	sst s0  }
0x18: {  	s0 =	sld [smem:$0x3F9C];
	_ =	swait.ge [sflag:s4], $0x0  }
0x19: {  	s7 =	sld [smem:$0x3F9D]  }
0x1a: {  	s8 =	sadd.s32 $0xFFFFE003, lr  }
0x1b: {  	s9 =	sadd.s32 $0xFFFFFEF7, lr;
	s5 =	simm.s32 $0xFFFFFFFF;
	p2 =	slt.u32 s8, $0xFFFFF086  }
0x1c: {  	p1 =	slt.u32 s9, $0xF7A;
	s5 =	simm.s32 @!p2 $0x0  }
0x1d: {  	s5 =	simm.s32 @p1 $0x1;
	p0 =	seq.s32 s7, s2  }
0x1e: {  	s7 =	smul.u32 @!p0 $0xF7A, s2;
	p2 =	seq.s32 @!p0 s5, $0x0  }
0x1f: {  	s9 =	smul.u32 $0xF7A, s1;
	s8 =	simm.s32 @!p0 $0x1BF5;
	p2 =	por !p2, p0  }
0x20: {  	[sflag:s8] =	ssyncset.s32 @!p0 $0xFFFFF086;
	s6 =	sadd.s32 @!p0 s3, s7;
	s7 =	simm.s32 @!p0 $0x108  }
0x21: {  	s3 =	sadd.s32 s3, s9;
	s6 =	sadd.s32 @!p0 $0x88, s6;
	s7 =	simm.s32 @p2 $0x1082  }
0x22: {  	[simem:s7], [sflag:s8] =	dma.local @!p0 [hbm:s6], $0xF7A  }
0x23: {  	s9 =	sor.u32 $0xD0000000, s2;
	s6 =	simm.s32 $0x108;
	_ =	swait.ge @!p0 [sflag:s8], $0x0  }
0x24: {  	s3 =	sadd.s32 $0x88, s3;
	s6 =	simm.s32 @!p1 $0x1082;
	[sflag:s4] =	ssyncset.s32 $0xFFFFF086  }
0x25: {  	[simem:s6], [sflag:s4] =	dma.local [hbm:s3], $0xF7A  }
0x26: {  	[smem:$0x3F9D] =	sst s1;
	(tag) =	ssettag s2;
	_ =	strace s9  }
0x27: {  	s1 =	sld [smem:$0x3FAD]  }
0x28: {  	s2 =	sld [smem:$0x3FAE]  }
0x29: {  	s4 =	sld [smem:$0x3FB0]  }
0x2a: {  	p0 =	seq.s32 s5, $0x0;
	s5 =	sld [smem:$0x3FB1]  }
0x2b: {  	s6 =	sld [smem:$0x3FB2]  }
0x2c: {  	s7 =	sld [smem:$0x3FB3]  }
0x2d: {  	s3 =	simm.s32 $0x108;
	s8 =	sld [smem:$0x3FB4]  }
0x2e: {  	s3 =	simm.s32 @!p0 $0x1082;
	s9 =	sld [smem:$0x3FB5]  }
0x2f: {  	lr =	sadd.s32 s0, s3;
	s0 =	sld [smem:$0x3FAC]  }
0x30: {  	s3 =	sld [smem:$0x3FAF]  }
0x31: {  	[smem:$0x3FB8] =	sst s10  }
0x32: {  	s10 =	sld [smem:$0x3FB6];
	_ =	sdelay $0x3  }
0x33: {  	p0 =	seq.s32 s10, $0x1;
	s10 =	sld [smem:$0x3FB8];
	_ =	sdelay $0x3  }
0x34: {  	[smem:$0x3FB8] =	sst s10  }
0x35: {  	s10 =	sld [smem:$0x3FB7];
	_ =	sdelay $0x3  }
0x36: {  	p1 =	seq.s32 s10, $0x1;
	s10 =	sld [smem:$0x3FB8];
	_ =	sdelay $0x3  }
0x37: {  	[smem:$0x3FB8] =	sst s10  }
0x38: {  	s10 =	sld [smem:$0x3FB9]  }
0x39: {  	_ = 	snop;
	(pc) =	sbr.ind lr, $3  }
0x3a: {  	_ = 	snop  }
0x3b: {  	_ = 	snop  }
0x3c: {  	p2 =	seq.s32 s10, $0x1;
	s10 =	sld [smem:$0x3FB8]  }
0x3d: {  	_ =	shalt  }
0x3e: {  	_ =	shalt  }
0x3f: {  	_ =	shalt  }
0x40: {  	_ =	shalt  }
0x41: {  	_ =	shalt  }
0x42: {  	_ =	shalt  }
0x43: {  	_ =	shalt  }
0x44: {  	_ =	shalt  }
0x45: {  	_ =	shalt  }
0x46: {  	_ =	shalt  }
0x47: {  	_ =	shalt  }
0x48: {  	_ =	shalt  }
0x49: {  	_ =	shalt  }
0x4a: {  	_ =	shalt  }
0x4b: {  	_ =	shalt  }
0x4c: {  	_ =	shalt  }
0x4d: {  	_ =	shalt  }
0x4e: {  	_ =	shalt  }
0x4f: {  	_ =	shalt  }
0x50: {  	_ =	shalt  }
0x51: {  	_ =	shalt  }
0x52: {  	_ =	shalt  }
0x53: {  	_ =	shalt  }
0x54: {  	_ =	shalt  }
0x55: {  	_ =	shalt  }
0x56: {  	_ =	shalt  }
0x57: {  	_ =	shalt  }
0x58: {  	_ =	shalt  }
0x59: {  	_ =	shalt  }
0x5a: {  	_ =	shalt  }
0x5b: {  	_ =	shalt  }
0x5c: {  	_ =	shalt  }
0x5d: {  	_ =	shalt  }
0x5e: {  	_ =	shalt  }
0x5f: {  	_ =	shalt  }
0x60: {  	_ =	shalt  }
0x61: {  	_ =	shalt  }
0x62: {  	_ =	shalt  }
0x63: {  	_ =	shalt  }
0x64: {  	_ =	shalt  }
0x65: {  	_ =	shalt  }
0x66: {  	_ =	shalt  }
0x67: {  	_ =	shalt  }
0x68: {  	_ =	shalt  }
0x69: {  	_ =	shalt  }
0x6a: {  	_ =	shalt  }
0x6b: {  	_ =	shalt  }
0x6c: {  	_ =	shalt  }
0x6d: {  	_ =	shalt  }
0x6e: {  	_ =	shalt  }
0x6f: {  	_ =	shalt  }
0x70: {  	_ =	shalt  }
0x71: {  	_ =	shalt  }
0x72: {  	_ =	shalt  }
0x73: {  	_ =	shalt  }
0x74: {  	_ =	shalt  }
0x75: {  	_ =	shalt  }
0x76: {  	_ =	shalt  }
0x77: {  	_ =	shalt  }
0x78: {  	_ =	shalt  }
0x79: {  	_ =	shalt  }
0x7a: {  	_ =	shalt  }
0x7b: {  	_ =	shalt  }
0x7c: {  	_ =	shalt  }
0x7d: {  	_ =	shalt  }
0x7e: {  	_ =	shalt  }
0x7f: {  	_ =	shalt  }
0x80: {  	_ =	shalt  }
0x81: {  	_ =	shalt  }
0x82: {  	_ =	shalt  }
0x83: {  	_ =	shalt  }
0x84: {  	_ =	shalt  }
0x85: {  	_ =	shalt  }
0x86: {  	_ =	shalt  }
0x87: {  	_ =	shalt  }
.Lfunc_end0:
.L_simem_size_0:
called_computation_lowered:
.L_overlay_start_0:
0x88: {  	s2 =	sld [smem:$0x3FD9]  }
0x89: {  	s3 =	sld [smem:$0x3FFE];
	_ =	sdelay $0x1  }
0x8a: {  	s1 =	srdreg.scid  }
0x8b: {  	s0 =	sand.u32 $0x1, s1  }
0x8c: {  	s17 =	sshll.u32 s0, $0xA;
	s2 =	sadd.s32 s3, s2  }
0x8d: {  	s2 =	sadd.s32 s2, s17  }
0x8e: {  	[smem:$0x3FC4] =	sst s2  }
0x8f: {  	_ = 	snop  }
0x90: {  	s2 =	sld [smem:$0x3FC9]  }
0x91: {  	s18 =	sld [smem:$0x3FC8]  }
0x92: {  	s4 =	sld [smem:$0x3FD0];
	(tm) =	ssettm $0x1  }
0x93: {  	s5 =	sld [smem:$0x3FFB];
	_ =	sdelay $0x3  }
0x94: {  	_ =	strace s5  }
0x95: {  	s5 =	sld [smem:$0x3FFC];
	_ =	sdelay $0x3  }
0x96: {  	_ =	strace s5  }
0x97: {  	s5 =	sld [smem:$0x3FFD];
	_ =	sdelay $0x3  }
0x98: {  	_ =	strace s5  }
0x99: {  	_ =	strace $0x8FFFFFFF  }
0x9a: {  	s19 =	sld [smem:$0x3FDB];
	_ =	sdelay $0x1  }
0x9b: {  	s6 =	simm.s32 $_scs_section_size  }
0x9c: {  	s7 =	simm.s32 $_size__tile_overlayer_lowered;
	s8 =	simm.s32 $_tile_overlayer_lowered  }
0x9d: {  	s22 =	simm.s32 $0x1BFF;
	s21 =	sshll.u32 s8, $0x1;
	s5 =	sadd.s32 s6, s19  }
0x9e: {  	s9 =	simm.s32 $0x0;
	s20 =	sshll.u32 s7, $0x1;
	s7 =	sadd.s32 s21, s5  }
0x9f: {  	[timem:s9], [sflag:s22] =	dma.local [hbm:s7], s20  }
0xa0: {  	_ =	swait.ge [sflag:s22], s20  }
0xa1: {  	s6 =	ssub.s32 $0x0, s20;
	[sflag:s22] =	ssyncset.done $0x0  }
0xa2: {  	[sflag:s22] =	ssyncadd.s32 s6;
	_ =	sdelay $0x1  }
0xa3: {  	s23 =	simm.s32 $0x1B8B  }
0xa4: {  	_ =	swait.ge [sflag:s23], $0x1  }
0xa5: {  	[sflag:s23] =	ssyncset.done $0x0  }
0xa6: {  	s25 =	simm.s32 $0x1B8E;
	s24 =	sld [smem:$0x3FFE];
	[sflag:s23] =	ssyncadd.s32 $0xFFFFFFFF  }
0xa7: {  	s26 =	simm.s32 $execute0_lowered;
	[smem:$0x3FD2] =	sst s25  }
0xa8: {  	s7 =	sshll.u32 s26, $0x1;
	_ =	strace $0x80000046;
	[dreg:$0x1] =	wrdreg $0xFFFFFFFF  }
0xa9: {  	s28 =	simm.s32 $_size_execute0_lowered;
	s5 =	sadd.s32 s5, s7;
	[dreg:$0x0] =	wrdreg $0x0  }
0xaa: {  	s7 =	sshll.u32 s28, $0x1;
	[dreg:$0x2] =	wrdreg s5  }
0xab: {  	[dreg:$0x3] =	wrdreg s7  }
0xac: {  	[dreg:$0x4] =	wrdreg $0xC0  }
0xad: {  	_ =	task [dreg:s9], $0x5FFFF  }
0xae: {  	[dreg:$0x1] =	wrdreg $0xFFFFFFFF  }
0xaf: {  	[dreg:$0x0] =	wrdreg $0x60  }
0xb0: {  	[dreg:$0x2] =	wrdreg s2  }
0xb1: {  	[dreg:$0x3] =	wrdreg s18  }
0xb2: {  	[dreg:$0x4] =	wrdreg s24  }
0xb3: {  	[dreg:$0x5] =	wrdreg s4  }
0xb4: {  	[dreg:$0x6] =	wrdreg $0x9  }
0xb5: {  	_ =	task.clear_ibuf [dreg:s9], $0x7FFFF;
	_ =	strace $0x90000046  }
0xb6: {  	s29 =	simm.s32 $0x9;
	_ =	strace $0x80000048  }
0xb7: {  	_ =	swait.ge [sflag:s29], $0x1  }
0xb8: {  	[sflag:s29] =	ssyncadd.s32 $0xFFFFFFFF  }
0xb9: {  	_ =	strace $0x90000048  }
0xba: {  	_ =	sfence  }
0xbb: {  	s30 =	sld [smem:$0x0];
	_ =	sdelay $0x2  }
0xbc: {  	s31 =	sshll.u32 s1, $0xD;
	s1 =	sshrl.u32 s1, $0x2  }
0xbd: {  	s3 =	sand.u32 $0x4000, s31;
	s1 =	sadd.s32 s1, s30  }
0xbe: {  	s0 =	sor.u32 s3, s0;
	s1 =	sshll.u32 s1, $0x11  }
0xbf: {  	s0 =	sor.u32 s1, s0  }
0xc0: {  	s0 =	sadd.s32 $0x8F2B, s0  }
0xc1: {  	[sflag:s0] =	ssyncadd.remote.s32 $0x1  }
0xc2: {  	_ =	sfence.sel $0xFFFF  }
0xc3: {  	[dreg:$0x0] =	wrdreg $0xFFFFFFFF;
	(pc) =	sbr.abs _section_cstart, $3  }
0xc4: {  	[dreg:$0x1] =	wrdreg $0xFFFFFFFF  }
0xc5: {  	_ =	task.clear_ibuf [dreg:s9], $0x2FFFF;
	_ =	strace $0x9FFFFFFF  }
0xc6: {  	(tm) =	ssettm $0x7FFFFFFF  }
0xc7: {  	_ =	shalt  }
tec
execute0_lowered:
.L_overlay_start_1:
0x0: {  	(tag) =	ssettag $0x1  }
0x1: {  	v0 =	vimm.s32 $0x76543210  }
0x2: {  	v1 =	vimm.s32 $0xFEDCBA98;
	v2 =	vimm.s32 $0x3210FEDC;
	v3 =	vimm.s32 $0xBA987654  }
0x3: {  	vm0 =	vcmask $0x2F20;
	vm1 =	vcmask $0xF00;
	v5 =	vimm.s32 $0xDCBA9876  }
0x4: {  	v6 =	vimm.s32 $0x543210FE;
	v7 =	vimm.s32 $0xFEDCBA9;
	v8 =	vimm.s32 $0x87654321  }
0x5: {  	vm2 =	vcmask $0x700;
	vm3 =	vcmask $0xB08;
	vm4 =	vcmask $0x300  }
0x6: {  	v1 =	vunpack.c.l.s4.s8 v1;
	v0 =	vunpack.c.l.s4.s8 v0;
	v2 =	vunpack.c.l.s4.s8 v2  }
0x7: {  	v3 =	vunpack.c.l.s4.s8 v3;
	vm0 =	vmor vm1, vm0;
	v5 =	vunpack.c.l.s4.s8 v5  }
0x8: {  	v6 =	vunpack.c.l.s4.s8 v6;
	vm1 =	vcmask $0x1710;
	vm3 =	vmor vm4, vm3  }
0x9: {  	vm4 =	vcmask $0x1310;
	vm1 =	vmor vm2, vm1;
	vm2 =	vcmask $0x2720  }
0xa: {  	vm3 =	vmor vm3, vm4;
	vm4 =	vcmask $0x1B18;
	v1 =	vunpack.c.0.s8.s32 v1  }
0xb: {  	s0 =	rddreg [dreg:$0x0];
	v0 =	vunpack.c.0.s8.s32 v0;
	v2 =	vunpack.c.0.s8.s32 v2;
	v3 =	vunpack.c.0.s8.s32 v3  }
0xc: {  	s2 =	rddreg [dreg:$0x1];
	v5 =	vunpack.c.0.s8.s32 v5;
	v6 =	vunpack.c.0.s8.s32 v6;
	vm3 =	vmor vm3, vm4  }
0xd: {  	s4 =	rddreg [dreg:$0x2];
	v1 =	vand.u32 $0xF, v1;
	v4 =	vcombine.low v3, v2;
	v3 =	vcombine.low v2, v3  }
0xe: {  	s13 =	rddreg [dreg:$0x3];
	v2 =	vimm.s32 $0x98765432;
	v0 =	vcombine.low v1, v0;
	v1 =	vimm.s32 $0x10FEDCBA  }
0xf: {  	s1 =	simm.s32 $0x0;
	s5 =	srdreg.scid;
	s7 =	stileid.u32;
	vm4 =	vcmask $0x2320;
	v2 =	vunpack.c.l.s4.s8 v2;
	v1 =	vunpack.c.l.s4.s8 v1  }
0x10: {  	s16 =	simm.s32 $0x200;
	s17 =	simm.s32 $0x80;
	s18 =	simm.s32 $0x280;
	vm1 =	vmor vm1, vm2;
	vm2 =	vcmask $0x3730;
	vm3 =	vmor vm3, vm4  }
0x11: {  	s19 =	simm.s32 $0x100;
	s20 =	simm.s32 $0x300;
	s21 =	simm.s32 $0x180;
	vm4 =	vcmask $0x2B28;
	v2 =	vunpack.c.0.s8.s32 v2;
	v1 =	vunpack.c.0.s8.s32 v1  }
0x12: {  	s22 =	simm.s32 $0x380;
	s28 =	simm.s32 $0x2400;
	s29 =	simm.s32 $0x6400;
	vm1 =	vmor vm1, vm2;
	vm3 =	vmor vm3, vm4;
	vm4 =	vcmask $0x3330  }
0x13: {  	s30 =	simm.s32 $0x3400;
	s31 =	simm.s32 $0x7400;
	s23 =	simm.s32 $0x0;
	v9 =	vcombine.low v2, v1;
	v1 =	vunpack.c.l.s4.s8 v7;
	v2 =	vunpack.c.l.s4.s8 v8  }
0x14: {  	[smem:$0x7FF] =	sst s1;
	s3 =	sadd.s32 $0xF42800, s4;
	s5 =	sand.u32 $0x1, s5;
	v5 =	vcombine.low v6, v5;
	vm3 =	vmor vm3, vm4;
	v7 =	vimm.s32 $0xF7B3D591  }
0x15: {  	s7 =	sshll.u32 s7, $0x7;
	s6 =	ssub.s32 $0x2, s5;
	s5 =	sshll.u32 s5, $0x6;
	v8 =	vimm.s32 $0xE6A2C480;
	v1 =	vunpack.c.0.s8.s32 v1;
	v2 =	vunpack.c.0.s8.s32 v2  }
0x16: {  	s4 =	sadd.s32 $0x1313200, s4;
	s8 =	sshrl.u32 s6, $0x1;
	s14 =	sor.u32 s5, s7;
	vm4 =	vcmask $0x3B38;
	v7 =	vunpack.c.l.s4.s8 v7;
	v8 =	vunpack.c.l.s4.s8 v8  }
0x17: {  	_ =	strace $0x80000047;
	s15 =	ssub.s32 s6, s8;
	s5 =	sadd.s32 s0, s14;
	v6 =	vcombine.low v2, v1;
	v1 =	vimm.s32 $0xEDCBA987;
	v2 =	vimm.s32 $0x6543210F  }
0x18: {  	s26 =	sor.u32 $0x10, s14;
	s6 =	sadd.s32 s2, s14;
	s10 =	sor.u32 $0x20, s14;
	vm2 =	vmor vm3, vm4;
	v1 =	vunpack.c.l.s4.s8 v1;
	v2 =	vunpack.c.l.s4.s8 v2  }
0x19: {  	s12 =	sor.u32 $0x30, s14;
	s13 =	sadd.s32 s13, s14;
	s7 =	sadd.s32 s0, s26;
	vm3 =	vmmov $0xff;
	v7 =	vunpack.c.0.s8.s32 v7;
	v8 =	vunpack.c.0.s8.s32 v8  }
0x1a: {  	s8 =	sadd.s32 s2, s26;
	s9 =	sadd.s32 s0, s10;
	s10 =	sadd.s32 s2, s10;
	v3 =	vand.u32 $0xF, v3;
	v1 =	vunpack.c.0.s8.s32 v1;
	v2 =	vunpack.c.0.s8.s32 v2  }
0x1b: {  	s11 =	sadd.s32 s0, s12;
	s12 =	sadd.s32 s2, s12;
	s14 =	smax.u32 s15, $0x1;
	v5 =	vand.u32 $0xF, v5;
	v7 =	vcombine.low v8, v7;
	v6 =	vand.u32 $0xF, v6  }
0x1c: {  	s15 =	simm.s32 $0x2;
	s0 =	simm.s32 $0x1;
	s2 =	simm.s32 $0x8400;
	v1 =	vcombine.low v2, v1;
	v2 =	vand.u32 $0xF, v4;
	v4 =	vand.u32 $0xF, v9  }
.LBB2_1:
0x1d: {  	[tilespmem:s1], [sflag:$0x2] =	stream.linear.gather [hbm4b:s5+s1], $0x80, $0x38;
	[tilespmem:$0x8600] =	vst v63  }
0x1e: {  	_ =	swait.ge [sflag:s15], $0x80  }
0x1f: {  	[sflag:s15] =	ssyncset.done $0x0  }
0x20: {  	[sflag:s15] =	ssyncadd.s32 $0xFFFFFF80  }
0x21: {  	[tilespmem:s16], [sflag:$0x2] =	stream.linear.gather [hbm4b:s6+s1], $0x80, $0x38;
	[tilespmem:$0x8600] =	vst v63  }
0x22: {  	_ =	swait.ge [sflag:s15], $0x80  }
0x23: {  	[sflag:s15] =	ssyncset.done $0x0  }
0x24: {  	[sflag:s15] =	ssyncadd.s32 $0xFFFFFF80  }
0x25: {  	[tilespmem:s17], [sflag:$0x2] =	stream.linear.gather [hbm4b:s7+s1], $0x80, $0x38;
	[tilespmem:$0x8600] =	vst v63  }
0x26: {  	_ =	swait.ge [sflag:s15], $0x80  }
0x27: {  	[sflag:s15] =	ssyncset.done $0x0  }
0x28: {  	[sflag:s15] =	ssyncadd.s32 $0xFFFFFF80  }
0x29: {  	[tilespmem:s18], [sflag:$0x2] =	stream.linear.gather [hbm4b:s8+s1], $0x80, $0x38;
	[tilespmem:$0x8600] =	vst v63  }
0x2a: {  	_ =	swait.ge [sflag:s15], $0x80  }
0x2b: {  	[sflag:s15] =	ssyncset.done $0x0  }
0x2c: {  	[sflag:s15] =	ssyncadd.s32 $0xFFFFFF80  }
0x2d: {  	[tilespmem:s19], [sflag:$0x2] =	stream.linear.gather [hbm4b:s9+s1], $0x80, $0x38;
	[tilespmem:$0x8600] =	vst v63  }
0x2e: {  	_ =	swait.ge [sflag:s15], $0x80  }
0x2f: {  	[sflag:s15] =	ssyncset.done $0x0  }
0x30: {  	[sflag:s15] =	ssyncadd.s32 $0xFFFFFF80  }
0x31: {  	[tilespmem:s20], [sflag:$0x2] =	stream.linear.gather [hbm4b:s10+s1], $0x80, $0x38;
	[tilespmem:$0x8600] =	vst v63  }
0x32: {  	_ =	swait.ge [sflag:s15], $0x80  }
0x33: {  	[sflag:s15] =	ssyncset.done $0x0  }
0x34: {  	[sflag:s15] =	ssyncadd.s32 $0xFFFFFF80  }
0x35: {  	[tilespmem:s21], [sflag:$0x2] =	stream.linear.gather [hbm4b:s11+s1], $0x80, $0x38;
	[tilespmem:$0x8600] =	vst v63  }
0x36: {  	_ =	swait.ge [sflag:s15], $0x80  }
0x37: {  	[sflag:s15] =	ssyncset.done $0x0  }
0x38: {  	[sflag:s15] =	ssyncadd.s32 $0xFFFFFF80  }
0x39: {  	[tilespmem:s22], [sflag:$0x2] =	stream.linear.gather [hbm4b:s12+s1], $0x80, $0x38;
	[tilespmem:$0x8600] =	vst v63  }
0x3a: {  	_ =	swait.ge [sflag:s15], $0x80  }
0x3b: {  	[sflag:s15] =	ssyncset.done $0x0  }
0x3c: {  	s24 =	simm.s32 $0x400;
	[sflag:s15] =	ssyncadd.s32 $0xFFFFFF80  }
0x3d: {  	[tilespmem:s24], [sflag:$0x1] =	stream.indirect.gather [hbm4b:s3+s17], $0x20, s1, s17, $0xb8;
	[tilespmem:$0x8600] =	vst v63  }
0x3e: {  	s25 =	simm.s32 $0x4400  }
0x3f: {  	[tilespmem:s25], [sflag:$0x1] =	stream.indirect.gather [hbm4b:s4+s17], $0x20, s16, s17, $0xb8;
	[tilespmem:$0x8600] =	vst v63  }
0x40: {  	s26 =	simm.s32 $0x1400  }
0x41: {  	[tilespmem:s26], [sflag:$0x1] =	stream.indirect.gather [hbm4b:s3+s17], $0x20, s17, s17, $0xb8;
	[tilespmem:$0x8600] =	vst v63  }
0x42: {  	s25 =	simm.s32 $0x5400  }
0x43: {  	[tilespmem:s25], [sflag:$0x1] =	stream.indirect.gather [hbm4b:s4+s17], $0x20, s18, s17, $0xb8;
	[tilespmem:$0x8600] =	vst v63  }
0x44: {  	_ = 	snop  }
0x45: {  	[tilespmem:s28], [sflag:$0x1] =	stream.indirect.gather [hbm4b:s3+s17], $0x20, s19, s17, $0xb8;
	[tilespmem:$0x8600] =	vst v63  }
0x46: {  	_ = 	snop  }
0x47: {  	[tilespmem:s29], [sflag:$0x1] =	stream.indirect.gather [hbm4b:s4+s17], $0x20, s20, s17, $0xb8;
	[tilespmem:$0x8600] =	vst v63  }
0x48: {  	_ = 	snop  }
0x49: {  	[tilespmem:s30], [sflag:$0x1] =	stream.indirect.gather [hbm4b:s3+s17], $0x20, s21, s17, $0xb8;
	[tilespmem:$0x8600] =	vst v63  }
0x4a: {  	_ = 	snop  }
0x4b: {  	[tilespmem:s31], [sflag:$0x1] =	stream.indirect.gather [hbm4b:s4+s17], $0x20, s22, s17, $0xb8;
	[tilespmem:$0x8600] =	vst v63  }
0x4c: {  	_ =	swait.ge [sflag:s0], $0x1000  }
0x4d: {  	[sflag:s0] =	ssyncset.done $0x0  }
0x4e: {  	[sflag:s0] =	ssyncadd.s32 $0xFFFFF000  }
0x4f: {  	_ =	swait.ge [sflag:s0], $0x1000  }
0x50: {  	[sflag:s0] =	ssyncset.done $0x0  }
0x51: {  	[sflag:s0] =	ssyncadd.s32 $0xFFFFF000  }
0x52: {  	_ =	swait.ge [sflag:s0], $0x1000  }
0x53: {  	[sflag:s0] =	ssyncset.done $0x0  }
0x54: {  	[sflag:s0] =	ssyncadd.s32 $0xFFFFF000  }
0x55: {  	_ =	swait.ge [sflag:s0], $0x1000  }
0x56: {  	[sflag:s0] =	ssyncset.done $0x0  }
0x57: {  	[sflag:s0] =	ssyncadd.s32 $0xFFFFF000  }
0x58: {  	_ =	swait.ge [sflag:s0], $0x1000  }
0x59: {  	[sflag:s0] =	ssyncset.done $0x0  }
0x5a: {  	[sflag:s0] =	ssyncadd.s32 $0xFFFFF000  }
0x5b: {  	_ =	swait.ge [sflag:s0], $0x1000  }
0x5c: {  	[sflag:s0] =	ssyncset.done $0x0  }
0x5d: {  	[sflag:s0] =	ssyncadd.s32 $0xFFFFF000  }
0x5e: {  	_ =	swait.ge [sflag:s0], $0x1000  }
0x5f: {  	[sflag:s0] =	ssyncset.done $0x0  }
0x60: {  	[sflag:s0] =	ssyncadd.s32 $0xFFFFF000  }
0x61: {  	_ =	swait.ge [sflag:s0], $0x1000  }
0x62: {  	[sflag:s0] =	ssyncset.done $0x0  }
0x63: {  	s26 =	simm.s32 $0x0;
	[sflag:s0] =	ssyncadd.s32 $0xFFFFF000  }
0x64: {  	v8 =	vld [tilespmem:s26+$0x4400]  }
0x65: {  	v9 =	vld [tilespmem:s26+$0x400]  }
0x66: {  	v10 =	vld [tilespmem:s26+$0x410]  }
0x67: {  	v11 =	vld [tilespmem:s26+$0x4410]  }
0x68: {  	v12 =	vld [tilespmem:s26+$0x420]  }
0x69: {  	v13 =	vld [tilespmem:s26+$0x4420]  }
0x6a: {  	v14 =	vld [tilespmem:s26+$0x430]  }
0x6b: {  	v15 =	vld [tilespmem:s26+$0x4430]  }
0x6c: {  	v16 =	vld [tilespmem:s26+$0x440]  }
0x6d: {  	v17 =	vld [tilespmem:s26+$0x4440]  }
0x6e: {  	v18 =	vld [tilespmem:s26+$0x450]  }
0x6f: {  	v19 =	vld [tilespmem:s26+$0x4450]  }
0x70: {  	v20 =	vld [tilespmem:s26+$0x460]  }
0x71: {  	v21 =	vld [tilespmem:s26+$0x4460]  }
0x72: {  	v22 =	vld [tilespmem:s26+$0x470]  }
0x73: {  	v23 =	vld [tilespmem:s26+$0x4470]  }
0x74: {  	v24 =	vld [tilespmem:s26+$0x480]  }
0x75: {  	v25 =	vld [tilespmem:s26+$0x4480]  }
0x76: {  	v26 =	vld [tilespmem:s26+$0x490]  }
0x77: {  	v27 =	vld [tilespmem:s26+$0x4490]  }
0x78: {  	v28 =	vld [tilespmem:s26+$0x4A0]  }
0x79: {  	v29 =	vld [tilespmem:s26+$0x44A0]  }
0x7a: {  	v30 =	vld [tilespmem:s26+$0x4B0]  }
0x7b: {  	v31 =	vld [tilespmem:s26+$0x44B0]  }
0x7c: {  	v32 =	vld [tilespmem:s26+$0x500]  }
0x7d: {  	v33 =	vld [tilespmem:s26+$0x4500]  }
0x7e: {  	v34 =	vld [tilespmem:s26+$0x510]  }
0x7f: {  	v35 =	vld [tilespmem:s26+$0x4510]  }
0x80: {  	v36 =	vld [tilespmem:s26+$0x520]  }
0x81: {  	v37 =	vld [tilespmem:s26+$0x4520]  }
0x82: {  	v38 =	vld [tilespmem:s26+$0x530]  }
0x83: {  	v39 =	vld [tilespmem:s26+$0x4530]  }
0x84: {  	v40 =	vld [tilespmem:s26+$0x4C0]  }
0x85: {  	v41 =	vld [tilespmem:s26+$0x44C0]  }
0x86: {  	v42 =	vld [tilespmem:s26+$0x4D0]  }
0x87: {  	v43 =	vld [tilespmem:s26+$0x44D0]  }
0x88: {  	v44 =	vld [tilespmem:s26+$0x4E0]  }
0x89: {  	v45 =	vld [tilespmem:s26+$0x44E0]  }
0x8a: {  	v46 =	vld [tilespmem:s26+$0x4F0]  }
0x8b: {  	v47 =	vld [tilespmem:s26+$0x44F0]  }
0x8c: {  	v48 =	vld [tilespmem:s26+$0x580]  }
0x8d: {  	v62 =	vld [tilespmem:s26+$0x45C0]  }
0x8e: {  	v63 =	vld [tilespmem:s26+$0x5D0]  }
0x8f: {  	v49 =	vld [tilespmem:s26+$0x45D0]  }
0x90: {  	v53 =	vld [tilespmem:s26+$0x5F0];
	v8 =	vmul.f32 v8, v9;
	v9 =	vmul.f32 v11, v10  }
0x91: {  	v56 =	vld [tilespmem:s26+$0x45F0];
	v11 =	vmul.f32 v13, v12;
	v12 =	vmul.f32 v15, v14  }
0x92: {  	v10 =	vld [tilespmem:s26+$0x540];
	v14 =	vmul.f32 v17, v16;
	v15 =	vmul.f32 v19, v18  }
0x93: {  	v13 =	vld [tilespmem:s26+$0x4540];
	v17 =	vmul.f32 v21, v20;
	v18 =	vmul.f32 v23, v22  }
0x94: {  	v16 =	vld [tilespmem:s26+$0x550];
	v24 =	vmul.f32 v25, v24;
	v25 =	vmul.f32 v27, v26  }
0x95: {  	v19 =	vld [tilespmem:s26+$0x4550];
	v27 =	vmul.f32 v29, v28;
	v28 =	vmul.f32 v31, v30  }
0x96: {  	v21 =	vld [tilespmem:s26+$0x4570];
	v30 =	vmul.f32 v33, v32;
	v8 =	vadd.f32 v9, v8;
	v9 =	vadd.f32 v12, v11  }
0x97: {  	v26 =	vld [tilespmem:s26+$0x45A0];
	v31 =	vmul.f32 v35, v34;
	v12 =	vadd.f32 v15, v14;
	v14 =	vadd.f32 v18, v17  }
0x98: {  	v29 =	vld [tilespmem:s26+$0x5C0];
	v18 =	vperm.xlane v8, v0;
	v20 =	vperm.xlane v9, v0  }
0x99: {  	v11 =	vld [tilespmem:s26+$0x560];
	v27 =	vadd.f32 v28, v27;
	v22 =	vperm.xlane v12, v0;
	v23 =	vperm.xlane v14, v0  }
0x9a: {  	v43 =	vmul.f32 v43, v42;
	v15 =	vld [tilespmem:s26+$0x4560];
	v8 =	vadd.f32 v18, v8;
	v9 =	vadd.f32 v20, v9  }
0x9b: {  	v50 =	vmul.f32 v45, v44;
	v17 =	vld [tilespmem:s26+$0x570];
	v12 =	vadd.f32 v22, v12;
	v14 =	vadd.f32 v23, v14  }
0x9c: {  	v28 =	vmul.f32 v41, v40;
	v30 =	vadd.f32 v31, v30;
	v31 =	vld [tilespmem:s26+$0x5E0];
	v8 =	vsel vm3, v8, v9  }
0x9d: {  	v10 =	vmul.f32 v13, v10;
	v13 =	vld [tilespmem:s26+$0x5B0];
	v9 =	vsel vm3, v12, v14;
	v14 =	vperm.xlane v8, v2  }
0x9e: {  	v51 =	vmul.f32 v47, v46;
	v28 =	vadd.f32 v43, v28;
	v54 =	vperm.xlane v27, v0;
	v18 =	vld [tilespmem:s26+$0x4580]  }
0x9f: {  	v55 =	vperm.xlane v30, v0;
	v16 =	vmul.f32 v19, v16;
	v20 =	vld [tilespmem:s26+$0x590];
	v8 =	vadd.f32 v14, v8  }
0xa0: {  	v22 =	vld [tilespmem:s26+$0x4590];
	v14 =	vadd.f32 v25, v24;
	v24 =	vmul.f32 v37, v36;
	v25 =	vmul.f32 v39, v38  }
0xa1: {  	v57 =	vperm.xlane v28, v0;
	v19 =	vadd.f32 v54, v27;
	v11 =	vmul.f32 v15, v11;
	v15 =	vld [tilespmem:s26+$0x45B0]  }
0xa2: {  	v27 =	vmul.f32 v62, v29;
	v29 =	vmul.f32 v49, v63;
	v24 =	vadd.f32 v25, v24;
	v25 =	vld [tilespmem:s26+$0x45E0]  }
0xa3: {  	v17 =	vmul.f32 v21, v17;
	v21 =	vadd.f32 v55, v30;
	v10 =	vadd.f32 v16, v10;
	v12 =	vld [tilespmem:s26+$0x5A0]  }
0xa4: {  	v30 =	vmul.f32 v56, v53;
	v28 =	vadd.f32 v57, v28;
	v23 =	vperm.xlane v9, v2  }
0xa5: {  	v11 =	vadd.f32 v17, v11;
	v17 =	vperm.xlane v10, v0;
	v36 =	vadd.f32 v51, v50  }
0xa6: {  	v9 =	vadd.f32 v23, v9;
	v18 =	vmul.f32 v18, v48;
	v16 =	vmul.f32 v22, v20  }
0xa7: {  	v10 =	vadd.f32 v17, v10;
	v13 =	vmul.f32 v15, v13;
	v25 =	vmul.f32 v25, v31  }
0xa8: {  	v15 =	vadd.f32 v29, v27;
	v52 =	vperm.xlane v14, v0;
	v12 =	vmul.f32 v26, v12  }
0xa9: {  	v23 =	vperm.xlane v36, v0;
	v16 =	vadd.f32 v16, v18;
	v20 =	vadd.f32 v30, v25  }
0xaa: {  	v14 =	vadd.f32 v52, v14;
	v12 =	vadd.f32 v13, v12;
	v13 =	vperm.xlane v15, v0  }
0xab: {  	v22 =	vadd.f32 v23, v36;
	v23 =	vperm.xlane v11, v0;
	v18 =	vperm.xlane v20, v0  }
0xac: {  	v26 =	vperm.xlane v12, v0;
	v13 =	vadd.f32 v13, v15;
	v25 =	vperm.xlane v16, v0  }
0xad: {  	v58 =	vperm.xlane v24, v0;
	v11 =	vadd.f32 v23, v11;
	v15 =	vadd.f32 v18, v20  }
0xae: {  	v12 =	vadd.f32 v26, v12;
	v16 =	vadd.f32 v25, v16  }
0xaf: {  	v24 =	vadd.f32 v58, v24;
	v14 =	vsel vm3, v14, v19;
	v13 =	vsel vm3, v13, v15  }
0xb0: {  	v10 =	vsel vm3, v10, v11;
	v11 =	vsel vm3, v16, v12;
	v18 =	vperm.xlane v13, v2  }
0xb1: {  	v16 =	vperm.xlane v10, v2;
	v19 =	vperm.xlane v11, v2;
	v15 =	vsel vm3, v28, v22  }
0xb2: {  	v17 =	vsel vm3, v21, v24;
	v12 =	vperm.xlane v15, v2;
	v13 =	vadd.f32 v18, v13  }
0xb3: {  	v10 =	vadd.f32 v16, v10;
	v11 =	vadd.f32 v19, v11;
	v18 =	vperm.xlane v14, v2  }
0xb4: {  	v12 =	vadd.f32 v12, v15;
	v15 =	vperm.xlane v17, v2;
	v13 =	vperm.xlane v13, v3  }
0xb5: {  	v9 =	vperm.xlane v9, v3;
	v10 =	vperm.xlane v10, v3;
	v14 =	vadd.f32 v18, v14  }
0xb6: {  	v15 =	vadd.f32 v15, v17;
	v12 =	vperm.xlane v12, v3;
	v11 =	vsel vm0, v11, v13  }
0xb7: {  	v13 =	vperm.xlane v11, v4  }
0xb8: {  	v8 =	vsel vm0, v8, v9;
	v9 =	vsel vm0, v14, v12;
	v10 =	vsel vm0, v15, v10  }
0xb9: {  	v12 =	vperm.xlane v9, v4;
	v14 =	vperm.xlane v10, v4;
	v11 =	vadd.f32 v13, v11  }
0xba: {  	v13 =	vperm.xlane v8, v4  }
0xbb: {  	v9 =	vadd.f32 v12, v9;
	v10 =	vadd.f32 v14, v10;
	v11 =	vperm.xlane v11, v5;
	_ =	sdelay $0x1  }
0xbc: {  	v8 =	vadd.f32 v13, v8;
	v9 =	vperm.xlane v9, v5;
	v10 =	vsel vm1, v10, v11  }
0xbd: {  	v11 =	vperm.xlane v10, v6  }
0xbe: {  	v8 =	vsel vm1, v8, v9  }
0xbf: {  	v9 =	vperm.xlane v8, v6;
	v10 =	vadd.f32 v11, v10;
	_ =	sdelay $0x1  }
0xc0: {  	v8 =	vadd.f32 v9, v8;
	v9 =	vperm.xlane v10, v1;
	_ =	sdelay $0x1  }
0xc1: {  	v8 =	vsel vm2, v8, v9  }
0xc2: {  	v8 =	vperm.xlane v8, v7;
	_ =	sdelay $0x1  }
0xc3: {  	s25 =	simm.s32 $0x200;
	[tilespmem:s2+$0x0] =	vst v8  }
0xc4: {  	v8 =	vld [tilespmem:s25+$0x4400]  }
0xc5: {  	v9 =	vld [tilespmem:s25+$0x400]  }
0xc6: {  	v10 =	vld [tilespmem:s25+$0x410]  }
0xc7: {  	v11 =	vld [tilespmem:s25+$0x4410]  }
0xc8: {  	v12 =	vld [tilespmem:s25+$0x420]  }
0xc9: {  	v13 =	vld [tilespmem:s25+$0x4420]  }
0xca: {  	v14 =	vld [tilespmem:s25+$0x430]  }
0xcb: {  	v15 =	vld [tilespmem:s25+$0x4430]  }
0xcc: {  	v16 =	vld [tilespmem:s25+$0x440]  }
0xcd: {  	v17 =	vld [tilespmem:s25+$0x4440]  }
0xce: {  	v18 =	vld [tilespmem:s25+$0x450]  }
0xcf: {  	v19 =	vld [tilespmem:s25+$0x4450]  }
0xd0: {  	v20 =	vld [tilespmem:s25+$0x460]  }
0xd1: {  	v21 =	vld [tilespmem:s25+$0x4460]  }
0xd2: {  	v22 =	vld [tilespmem:s25+$0x470]  }
0xd3: {  	v23 =	vld [tilespmem:s25+$0x4470]  }
0xd4: {  	v24 =	vld [tilespmem:s25+$0x480]  }
0xd5: {  	v26 =	vld [tilespmem:s25+$0x4480]  }
0xd6: {  	v28 =	vld [tilespmem:s25+$0x490]  }
0xd7: {  	v29 =	vld [tilespmem:s25+$0x4490]  }
0xd8: {  	v30 =	vld [tilespmem:s25+$0x4A0]  }
0xd9: {  	v31 =	vld [tilespmem:s25+$0x44A0]  }
0xda: {  	v32 =	vld [tilespmem:s25+$0x4B0]  }
0xdb: {  	v33 =	vld [tilespmem:s25+$0x44B0]  }
0xdc: {  	v34 =	vld [tilespmem:s25+$0x500]  }
0xdd: {  	v35 =	vld [tilespmem:s25+$0x4500]  }
0xde: {  	v36 =	vld [tilespmem:s25+$0x510]  }
0xdf: {  	v59 =	vld [tilespmem:s25+$0x4510]  }
0xe0: {  	v60 =	vld [tilespmem:s25+$0x520]  }
0xe1: {  	v61 =	vld [tilespmem:s25+$0x4520]  }
0xe2: {  	v62 =	vld [tilespmem:s25+$0x530]  }
0xe3: {  	v63 =	vld [tilespmem:s25+$0x4530]  }
0xe4: {  	v52 =	vld [tilespmem:s25+$0x4C0]  }
0xe5: {  	v53 =	vld [tilespmem:s25+$0x44C0]  }
0xe6: {  	v54 =	vld [tilespmem:s25+$0x4D0]  }
0xe7: {  	v55 =	vld [tilespmem:s25+$0x44D0]  }
0xe8: {  	v56 =	vld [tilespmem:s25+$0x4E0]  }
0xe9: {  	v57 =	vld [tilespmem:s25+$0x44E0]  }
0xea: {  	v58 =	vld [tilespmem:s25+$0x4F0]  }
0xeb: {  	v49 =	vld [tilespmem:s25+$0x44F0]  }
0xec: {  	v37 =	vld [tilespmem:s25+$0x5F0]  }
0xed: {  	v8 =	vmul.f32 v8, v9;
	v9 =	vld [tilespmem:s25+$0x540]  }
0xee: {  	v25 =	vmul.f32 v11, v10;
	v11 =	vld [tilespmem:s25+$0x4540]  }
0xef: {  	v10 =	vld [tilespmem:s25+$0x550]  }
0xf0: {  	v13 =	vmul.f32 v13, v12;
	v14 =	vmul.f32 v15, v14;
	v12 =	vld [tilespmem:s25+$0x4550]  }
0xf1: {  	v15 =	vmul.f32 v17, v16;
	v16 =	vmul.f32 v19, v18;
	v19 =	vld [tilespmem:s25+$0x580]  }
0xf2: {  	v24 =	vmul.f32 v26, v24;
	v28 =	vmul.f32 v29, v28;
	v26 =	vld [tilespmem:s25+$0x45C0]  }
0xf3: {  	v29 =	vmul.f32 v31, v30;
	v31 =	vmul.f32 v35, v34;
	v34 =	vld [tilespmem:s25+$0x45E0]  }
0xf4: {  	v17 =	vmul.f32 v21, v20;
	v20 =	vadd.f32 v14, v13;
	v13 =	vld [tilespmem:s25+$0x560]  }
0xf5: {  	v18 =	vmul.f32 v23, v22;
	v16 =	vadd.f32 v16, v15;
	v15 =	vld [tilespmem:s25+$0x4560]  }
0xf6: {  	v30 =	vmul.f32 v33, v32;
	v59 =	vmul.f32 v59, v36;
	v8 =	vadd.f32 v25, v8;
	v14 =	vld [tilespmem:s25+$0x570]  }
0xf7: {  	v18 =	vadd.f32 v18, v17;
	v17 =	vld [tilespmem:s25+$0x4570];
	v33 =	vadd.f32 v28, v24;
	v24 =	vmul.f32 v61, v60  }
0xf8: {  	v60 =	vmul.f32 v63, v62;
	v28 =	vld [tilespmem:s25+$0x5D0];
	v32 =	vadd.f32 v30, v29;
	v30 =	vmul.f32 v53, v52  }
0xf9: {  	v29 =	vld [tilespmem:s25+$0x45D0];
	v21 =	vperm.xlane v8, v0;
	v22 =	vperm.xlane v20, v0  }
0xfa: {  	v36 =	vadd.f32 v59, v31;
	v31 =	vld [tilespmem:s25+$0x5E0];
	v23 =	vperm.xlane v16, v0;
	v25 =	vperm.xlane v18, v0  }
0xfb: {  	v61 =	vmul.f32 v55, v54;
	v8 =	vadd.f32 v21, v8;
	v20 =	vadd.f32 v22, v20;
	v21 =	vld [tilespmem:s25+$0x4580]  }
0xfc: {  	v62 =	vmul.f32 v57, v56;
	v22 =	vadd.f32 v23, v16;
	v23 =	vadd.f32 v25, v18;
	v16 =	vld [tilespmem:s25+$0x590]  }
0xfd: {  	v63 =	vmul.f32 v49, v58;
	v30 =	vadd.f32 v61, v30;
	v18 =	vld [tilespmem:s25+$0x4590];
	v8 =	vsel vm3, v8, v20  }
0xfe: {  	v35 =	vadd.f32 v60, v24;
	v25 =	vsel vm3, v22, v23;
	v20 =	vld [tilespmem:s25+$0x5A0];
	v50 =	vperm.xlane v8, v2  }
0xff: {  	v40 =	vperm.xlane v33, v0;
	v24 =	vadd.f32 v63, v62;
	v22 =	vld [tilespmem:s25+$0x45A0];
	v27 =	vperm.xlane v25, v2  }
0x100: {  	s24 =	simm.s32 $0x8400;
	s26 =	simm.s32 $0x1000;
	v39 =	vperm.xlane v32, v0;
	v38 =	vperm.xlane v36, v0;
	v23 =	vld [tilespmem:s25+$0x5C0];
	v8 =	vadd.f32 v50, v8  }
.LBB2_2:
0x101: {  	p0 =	sne.s32 s26, $0xF800;
	v41 =	vld [tilespmem:s25+$0x45F0];
	v42 =	vperm.xlane v30, v0;
	v43 =	vperm.xlane v35, v0;
	v25 =	vadd.f32 v27, v25  }
0x102: {  	v9 =	vmul.f32 v11, v9;
	v27 =	vadd.f32 v40, v33;
	v11 =	vld [tilespmem:s25+$0x5B0];
	v33 =	vperm.xlane v24, v0  }
0x103: {  	v10 =	vmul.f32 v12, v10;
	v12 =	vmul.f32 v15, v13;
	v15 =	vadd.f32 v39, v32;
	v13 =	vld [tilespmem:s25+$0x45B0]  }
0x104: {  	v14 =	vmul.f32 v17, v14;
	v17 =	vmul.f32 v21, v19;
	v19 =	vadd.f32 v38, v36  }
0x105: {  	v21 =	vmul.f32 v26, v23;
	v23 =	vmul.f32 v29, v28;
	v26 =	vadd.f32 v43, v35  }
0x106: {  	v30 =	vadd.f32 v42, v30;
	v28 =	vmul.f32 v34, v31;
	v29 =	vmul.f32 v41, v37  }
0x107: {  	v9 =	vadd.f32 v10, v9;
	v10 =	vmul.f32 v18, v16;
	v16 =	vmul.f32 v22, v20  }
0x108: {  	v11 =	vmul.f32 v13, v11;
	v13 =	vadd.f32 v23, v21;
	v18 =	vadd.f32 v29, v28  }
0x109: {  	v12 =	vadd.f32 v14, v12;
	v10 =	vadd.f32 v10, v17;
	v14 =	vperm.xlane v9, v0  }
0x10a: {  	v11 =	vadd.f32 v11, v16;
	v16 =	vperm.xlane v13, v0;
	v17 =	vperm.xlane v18, v0  }
0x10b: {  	v20 =	vadd.f32 v33, v24;
	v22 =	vperm.xlane v10, v0;
	v21 =	vperm.xlane v12, v0  }
0x10c: {  	v23 =	vperm.xlane v11, v0;
	v13 =	vadd.f32 v16, v13;
	v16 =	vadd.f32 v17, v18  }
0x10d: {  	v15 =	vsel vm3, v27, v15;
	v9 =	vadd.f32 v14, v9;
	v12 =	vadd.f32 v21, v12  }
0x10e: {  	v10 =	vadd.f32 v22, v10;
	v11 =	vadd.f32 v23, v11;
	v13 =	vsel vm3, v13, v16  }
0x10f: {  	v14 =	vsel vm3, v30, v20;
	v16 =	vsel vm3, v19, v26;
	v17 =	vperm.xlane v13, v2  }
0x110: {  	v9 =	vsel vm3, v9, v12;
	v10 =	vsel vm3, v10, v11;
	v11 =	vperm.xlane v14, v2  }
0x111: {  	v12 =	vperm.xlane v9, v2;
	v18 =	vperm.xlane v10, v2;
	v13 =	vadd.f32 v17, v13  }
0x112: {  	v17 =	vperm.xlane v15, v2;
	v11 =	vadd.f32 v11, v14;
	v14 =	vperm.xlane v16, v2  }
0x113: {  	v9 =	vadd.f32 v12, v9;
	v10 =	vadd.f32 v18, v10;
	v12 =	vperm.xlane v13, v3  }
0x114: {  	v13 =	vperm.xlane v25, v3;
	v15 =	vadd.f32 v17, v15;
	v14 =	vadd.f32 v14, v16  }
0x115: {  	v9 =	vperm.xlane v9, v3;
	v11 =	vperm.xlane v11, v3;
	v10 =	vsel vm0, v10, v12  }
0x116: {  	v12 =	vperm.xlane v10, v4  }
0x117: {  	v8 =	vsel vm0, v8, v13;
	v11 =	vsel vm0, v15, v11;
	v9 =	vsel vm0, v14, v9  }
0x118: {  	v13 =	vperm.xlane v11, v4;
	v14 =	vperm.xlane v9, v4;
	v10 =	vadd.f32 v12, v10  }
0x119: {  	v12 =	vperm.xlane v8, v4  }
0x11a: {  	v11 =	vadd.f32 v13, v11;
	v9 =	vadd.f32 v14, v9;
	v10 =	vperm.xlane v10, v5;
	_ =	sdelay $0x1  }
0x11b: {  	v8 =	vadd.f32 v12, v8;
	v11 =	vperm.xlane v11, v5;
	v9 =	vsel vm1, v9, v10  }
0x11c: {  	v10 =	vperm.xlane v9, v6  }
0x11d: {  	v8 =	vsel vm1, v8, v11  }
0x11e: {  	v11 =	vperm.xlane v8, v6;
	v9 =	vadd.f32 v10, v9;
	_ =	sdelay $0x1  }
0x11f: {  	v8 =	vadd.f32 v11, v8;
	v9 =	vperm.xlane v9, v1;
	_ =	sdelay $0x1  }
0x120: {  	v8 =	vsel vm2, v8, v9  }
0x121: {  	v8 =	vperm.xlane v8, v7  }
0x122: {  	s24 =	sadd.s32 $0x10, s24  }
0x123: {  	s25 =	sshra.s32 s26, $0x2;
	[tilespmem:s24+$0x0] =	vst v8  }
0x124: {  	v8 =	vld [tilespmem:s25+$0x4400]  }
0x125: {  	v9 =	vld [tilespmem:s25+$0x400]  }
0x126: {  	v10 =	vld [tilespmem:s25+$0x410]  }
0x127: {  	v11 =	vld [tilespmem:s25+$0x4410]  }
0x128: {  	v12 =	vld [tilespmem:s25+$0x420]  }
0x129: {  	v13 =	vld [tilespmem:s25+$0x4420]  }
0x12a: {  	v14 =	vld [tilespmem:s25+$0x430]  }
0x12b: {  	v15 =	vld [tilespmem:s25+$0x4430]  }
0x12c: {  	v16 =	vld [tilespmem:s25+$0x440]  }
0x12d: {  	v17 =	vld [tilespmem:s25+$0x4440]  }
0x12e: {  	v18 =	vld [tilespmem:s25+$0x450]  }
0x12f: {  	v19 =	vld [tilespmem:s25+$0x4450]  }
0x130: {  	v20 =	vld [tilespmem:s25+$0x460]  }
0x131: {  	v21 =	vld [tilespmem:s25+$0x4460]  }
0x132: {  	v22 =	vld [tilespmem:s25+$0x470]  }
0x133: {  	v23 =	vld [tilespmem:s25+$0x4470]  }
0x134: {  	v24 =	vld [tilespmem:s25+$0x480]  }
0x135: {  	v26 =	vld [tilespmem:s25+$0x4480]  }
0x136: {  	v28 =	vld [tilespmem:s25+$0x490]  }
0x137: {  	v29 =	vld [tilespmem:s25+$0x4490]  }
0x138: {  	v30 =	vld [tilespmem:s25+$0x4A0]  }
0x139: {  	v31 =	vld [tilespmem:s25+$0x44A0]  }
0x13a: {  	v32 =	vld [tilespmem:s25+$0x4B0]  }
0x13b: {  	v33 =	vld [tilespmem:s25+$0x44B0]  }
0x13c: {  	v34 =	vld [tilespmem:s25+$0x500]  }
0x13d: {  	v35 =	vld [tilespmem:s25+$0x4500]  }
0x13e: {  	v36 =	vld [tilespmem:s25+$0x510]  }
0x13f: {  	v37 =	vld [tilespmem:s25+$0x4510]  }
0x140: {  	v38 =	vld [tilespmem:s25+$0x520]  }
0x141: {  	v39 =	vld [tilespmem:s25+$0x4520]  }
0x142: {  	v40 =	vld [tilespmem:s25+$0x530]  }
0x143: {  	v41 =	vld [tilespmem:s25+$0x4530]  }
0x144: {  	v42 =	vld [tilespmem:s25+$0x4C0]  }
0x145: {  	v43 =	vld [tilespmem:s25+$0x44C0]  }
0x146: {  	v44 =	vld [tilespmem:s25+$0x4D0]  }
0x147: {  	v45 =	vld [tilespmem:s25+$0x44D0]  }
0x148: {  	v46 =	vld [tilespmem:s25+$0x4E0]  }
0x149: {  	v47 =	vld [tilespmem:s25+$0x44E0]  }
0x14a: {  	v48 =	vld [tilespmem:s25+$0x4F0]  }
0x14b: {  	v49 =	vld [tilespmem:s25+$0x44F0]  }
0x14c: {  	v8 =	vmul.f32 v8, v9;
	v25 =	vmul.f32 v11, v10;
	v9 =	vld [tilespmem:s25+$0x540]  }
0x14d: {  	v13 =	vmul.f32 v13, v12;
	v14 =	vmul.f32 v15, v14;
	v11 =	vld [tilespmem:s25+$0x4540]  }
0x14e: {  	v15 =	vmul.f32 v17, v16;
	v16 =	vmul.f32 v19, v18;
	v10 =	vld [tilespmem:s25+$0x550]  }
0x14f: {  	v17 =	vmul.f32 v21, v20;
	v18 =	vmul.f32 v23, v22;
	v12 =	vld [tilespmem:s25+$0x4550]  }
0x150: {  	v8 =	vadd.f32 v25, v8;
	v20 =	vadd.f32 v14, v13;
	v13 =	vld [tilespmem:s25+$0x560]  }
0x151: {  	v16 =	vadd.f32 v16, v15;
	v18 =	vadd.f32 v18, v17;
	v15 =	vld [tilespmem:s25+$0x4560]  }
0x152: {  	v21 =	vperm.xlane v8, v0;
	v22 =	vperm.xlane v20, v0;
	v14 =	vld [tilespmem:s25+$0x570]  }
0x153: {  	v23 =	vperm.xlane v16, v0;
	v25 =	vperm.xlane v18, v0;
	v17 =	vld [tilespmem:s25+$0x4570]  }
0x154: {  	v8 =	vadd.f32 v21, v8;
	v20 =	vadd.f32 v22, v20;
	v19 =	vld [tilespmem:s25+$0x580]  }
0x155: {  	v22 =	vadd.f32 v23, v16;
	v23 =	vadd.f32 v25, v18;
	v21 =	vld [tilespmem:s25+$0x4580]  }
0x156: {  	v16 =	vld [tilespmem:s25+$0x590]  }
0x157: {  	v8 =	vsel vm3, v8, v20;
	v25 =	vsel vm3, v22, v23;
	v18 =	vld [tilespmem:s25+$0x4590]  }
0x158: {  	v50 =	vperm.xlane v8, v2;
	v27 =	vperm.xlane v25, v2;
	v20 =	vld [tilespmem:s25+$0x5A0]  }
0x159: {  	v24 =	vmul.f32 v26, v24;
	v28 =	vmul.f32 v29, v28;
	v22 =	vld [tilespmem:s25+$0x45A0]  }
0x15a: {  	v29 =	vmul.f32 v31, v30;
	v30 =	vmul.f32 v33, v32;
	v23 =	vld [tilespmem:s25+$0x5C0]  }
0x15b: {  	v8 =	vadd.f32 v50, v8;
	v31 =	vmul.f32 v35, v34;
	v34 =	vmul.f32 v37, v36;
	v26 =	vld [tilespmem:s25+$0x45C0]  }
.Ltmp0:
0x15c: {  	v33 =	vadd.f32 v28, v24;
	v24 =	vmul.f32 v39, v38;
	v35 =	vmul.f32 v41, v40;
	v28 =	vld [tilespmem:s25+$0x5D0];
	(pc) =	sbr.rel @p0 .LBB2_2-.Ltmp0, $4  }
0x15d: {  	v32 =	vadd.f32 v30, v29;
	v30 =	vmul.f32 v43, v42;
	v37 =	vmul.f32 v45, v44;
	v29 =	vld [tilespmem:s25+$0x45D0]  }
0x15e: {  	v36 =	vadd.f32 v34, v31;
	v38 =	vmul.f32 v47, v46;
	v39 =	vmul.f32 v49, v48;
	v31 =	vld [tilespmem:s25+$0x5E0]  }
0x15f: {  	v40 =	vperm.xlane v33, v0;
	v35 =	vadd.f32 v35, v24;
	v30 =	vadd.f32 v37, v30;
	v34 =	vld [tilespmem:s25+$0x45E0]  }
0x160: {  	s26 =	sadd.s32 $0x800, s26;
	v24 =	vadd.f32 v39, v38;
	v39 =	vperm.xlane v32, v0;
	v38 =	vperm.xlane v36, v0;
	v37 =	vld [tilespmem:s25+$0x5F0]  }
0x161: {  	v42 =	vperm.xlane v30, v0  }
0x162: {  	v41 =	vld [tilespmem:s25+$0x45F0];
	v43 =	vperm.xlane v35, v0;
	v9 =	vmul.f32 v11, v9  }
0x163: {  	v25 =	vadd.f32 v27, v25;
	v55 =	vld [tilespmem:s25+$0x5B0];
	v10 =	vmul.f32 v12, v10;
	v58 =	vmul.f32 v15, v13  }
0x164: {  	v56 =	vadd.f32 v40, v33;
	v59 =	vld [tilespmem:s25+$0x45B0];
	v14 =	vmul.f32 v17, v14;
	v61 =	vmul.f32 v21, v19  }
0x165: {  	v63 =	vmul.f32 v26, v23;
	v57 =	vperm.xlane v24, v0;
	v60 =	vadd.f32 v39, v32  }
0x166: {  	v62 =	vadd.f32 v38, v36;
	v36 =	vmul.f32 v29, v28;
	v38 =	vadd.f32 v43, v35  }
0x167: {  	v30 =	vadd.f32 v42, v30;
	v39 =	vmul.f32 v34, v31;
	v40 =	vmul.f32 v41, v37  }
0x168: {  	v9 =	vadd.f32 v10, v9;
	v42 =	vmul.f32 v22, v20;
	v43 =	vadd.f32 v36, v63  }
0x169: {  	v41 =	vmul.f32 v18, v16;
	v11 =	vmul.f32 v59, v55;
	v44 =	vadd.f32 v40, v39  }
0x16a: {  	v12 =	vadd.f32 v14, v58;
	v48 =	vadd.f32 v57, v24;
	v46 =	vperm.xlane v43, v0  }
0x16b: {  	v10 =	vadd.f32 v41, v61;
	v11 =	vadd.f32 v11, v42;
	v47 =	vperm.xlane v44, v0  }
0x16c: {  	v45 =	vperm.xlane v9, v0;
	v49 =	vperm.xlane v12, v0;
	v13 =	vadd.f32 v46, v43  }
0x16d: {  	v50 =	vperm.xlane v10, v0;
	v51 =	vperm.xlane v11, v0;
	v52 =	vadd.f32 v47, v44  }
0x16e: {  	v15 =	vsel vm3, v56, v60;
	v9 =	vadd.f32 v45, v9;
	v12 =	vadd.f32 v49, v12  }
0x16f: {  	v10 =	vadd.f32 v50, v10;
	v11 =	vadd.f32 v51, v11;
	v13 =	vsel vm3, v13, v52  }
0x170: {  	v54 =	vsel vm3, v62, v38;
	v9 =	vsel vm3, v9, v12;
	v55 =	vperm.xlane v13, v2  }
0x171: {  	v53 =	vsel vm3, v30, v48;
	v12 =	vperm.xlane v9, v2;
	v10 =	vsel vm3, v10, v11  }
0x172: {  	v56 =	vperm.xlane v53, v2;
	v57 =	vperm.xlane v10, v2;
	v13 =	vadd.f32 v55, v13  }
0x173: {  	v58 =	vperm.xlane v15, v2;
	v59 =	vperm.xlane v54, v2;
	v9 =	vadd.f32 v12, v9  }
0x174: {  	v11 =	vadd.f32 v56, v53;
	v10 =	vadd.f32 v57, v10;
	v60 =	vperm.xlane v13, v3  }
0x175: {  	v15 =	vadd.f32 v58, v15;
	v61 =	vperm.xlane v25, v3;
	v14 =	vadd.f32 v59, v54  }
0x176: {  	v9 =	vperm.xlane v9, v3;
	v11 =	vperm.xlane v11, v3;
	v10 =	vsel vm0, v10, v60  }
0x177: {  	v12 =	vperm.xlane v10, v4  }
0x178: {  	v8 =	vsel vm0, v8, v61;
	v9 =	vsel vm0, v14, v9;
	v11 =	vsel vm0, v15, v11  }
0x179: {  	v14 =	vperm.xlane v9, v4;
	v62 =	vperm.xlane v11, v4;
	v10 =	vadd.f32 v12, v10  }
0x17a: {  	v63 =	vperm.xlane v8, v4  }
0x17b: {  	v9 =	vadd.f32 v14, v9;
	v11 =	vadd.f32 v62, v11;
	v10 =	vperm.xlane v10, v5;
	_ =	sdelay $0x1  }
0x17c: {  	v8 =	vadd.f32 v63, v8;
	v11 =	vperm.xlane v11, v5;
	v9 =	vsel vm1, v9, v10  }
0x17d: {  	v10 =	vperm.xlane v9, v6  }
0x17e: {  	v8 =	vsel vm1, v8, v11  }
0x17f: {  	v11 =	vperm.xlane v8, v6;
	v9 =	vadd.f32 v10, v9;
	_ =	sdelay $0x1  }
0x180: {  	v8 =	vadd.f32 v11, v8;
	v9 =	vperm.xlane v9, v1;
	_ =	sdelay $0x1  }
0x181: {  	v8 =	vsel vm2, v8, v9  }
0x182: {  	s23 =	sadd.s32 $0x1, s23;
	v8 =	vperm.xlane v8, v7  }
0x183: {  	s24 =	sadd.s32 $0x10, s24;
	p0 =	sne.s32 s23, s14  }
.Ltmp1:
0x184: {  	[tilespmem:s24+$0x0] =	vst v8;
	(pc) =	sbr.rel @p0 .LBB2_1-.Ltmp1, $4  }
0x185: {  	[hbm4b:s13+s1] =	stream.linear.scatter [tilespmem:s2], [sflag:$0x2], $0x200, $0x38;
	[tilespmem:$0x8600] =	vst v63  }
0x186: {  	_ =	swait.ge [sflag:s15], $0x200  }
0x187: {  	[sflag:s15] =	ssyncset.done $0x0  }
0x188: {  	[sflag:s15] =	ssyncadd.s32 $0xFFFFFE00  }
0x189: {  	_ =	sfence.sel $0x180000  }
0x18a: {  	[bflag:$0x0] =	sbarrier.arrive $0xFFFF  }
0x18b: {  	_ =	strace $0x90000047  }
0x18c: {  	s0 =	stileid.u32;
	[bflag:$0x2] =	sbarrier.arrive $0xFFFF  }
0x18d: {  	p0 =	sne.s32 s0, $0x0;
	s0 =	rddreg [dreg:$0x4]  }
0x18e: {  	s0 =	sadd.s32 @!p0 $0x100000, s0  }
0x18f: {  	[sflag:s0] =	ssyncadd.tile.s32 @!p0 $0x1;
	_ =	shalt  }
.Lfunc_end2:
_tile_overlayer_lowered:
.L_overlay_start_2:
0x190: {  	(tag) =	ssettag $0x2  }
0x191: {  	s0 =	rddreg [dreg:$0x0];
	s2 =	stileid.u32  }
0x192: {  	s1 =	rddreg [dreg:$0x1];
	p0 =	sne.s32 s2, $0x0  }
0x193: {  	s3 =	rddreg [dreg:$0x2];
	[bflag:$0x3] =	sbarrier.arrive $0xFFFF;
	s2 =	simm.s32 @!p0 $0x1C02  }
0x194: {  	[timem:s3], [sflag:s2] =	dma.local @!p0 [hbm:s0], s1  }
0x195: {  	s0 =	simm.s32 @!p0 $0x2  }
0x196: {  	_ =	swait.ge @!p0 [sflag:s0], s1  }
0x197: {  	s1 =	ssub.s32 @!p0 $0x0, s1;
	[sflag:s0] =	ssyncset.done @!p0 $0x0  }
0x198: {  	[sflag:s0] =	ssyncadd.s32 @!p0 s1  }
0x199: {  	[bflag:$0x3] =	sbarrier.arrive $0xFFFF  }
0x19a: {  	_ =	shalt  }

</sc_bundles>
